<compile_context>
chip_gen: v7x
topology: tpu7x:2x2x1
jax: 0.10.2.dev20260603
libtpu: 0.0.44.dev20260713+nightly
codegen_flags: <defaults>
</compile_context>

<pallas_src>
import functools

import jax
import jax.numpy as jnp
from jax import lax
from jax.experimental import pallas as pl
from jax.experimental.pallas import tpu as pltpu
from jax.experimental.pallas import tpu_sc as plsc

NB, NT, NF, NMIC = 8, 100, 128, 2
NELE = NAZI = 73
NG = NELE * NAZI
D = NF * NMIC
BT = NB * NT
SCALE = (NMIC * NF) / 2.0
TILE_G = 512
NGT = (NG + TILE_G - 1) // TILE_G

BT_PAD = 1024


def _masked_tile_max(m, gi):
    col = gi * TILE_G + lax.broadcasted_iota(jnp.int32, m.shape, 1)
    mv = jnp.where(col < NG, m, -jnp.inf)
    tmax = jnp.max(mv, axis=1, keepdims=True)
    targ = jnp.min(jnp.where(mv == tmax, col, NG), axis=1, keepdims=True)
    return tmax, targ


def _ss_argmax_body(ipd_ref, t_ref, ss_ref, idx_ref, best_ref):
    gi = pl.program_id(0)
    m = lax.dot_general(
        ipd_ref[...], t_ref[...], (((1,), (1,)), ((), ())),
        preferred_element_type=jnp.float32,
    ) * (1.0 / SCALE)
    ss_ref[...] = m
    tmax, targ = _masked_tile_max(m, gi)

    @pl.when(gi == 0)
    def _():
        best_ref[...] = tmax
        idx_ref[...] = targ

    @pl.when(gi > 0)
    def _():
        upd = tmax > best_ref[...]
        best_ref[...] = jnp.where(upd, tmax, best_ref[...])
        idx_ref[...] = jnp.where(upd, targ, idx_ref[...])


def _ss_argmax(ipd, T):
    return pl.pallas_call(
        _ss_argmax_body,
        grid=(NGT,),
        in_specs=[
            pl.BlockSpec((BT, D), lambda i: (0, 0)),
            pl.BlockSpec((TILE_G, D), lambda i: (i, 0)),
        ],
        out_specs=[
            pl.BlockSpec((BT, TILE_G), lambda i: (0, i)),
            pl.BlockSpec((BT, 1), lambda i: (0, 0)),
            pl.BlockSpec((BT, 1), lambda i: (0, 0)),
        ],
        out_shape=[
            jax.ShapeDtypeStruct((BT, NG), jnp.float32),
            jax.ShapeDtypeStruct((BT, 1), jnp.int32),
            jax.ShapeDtypeStruct((BT, 1), jnp.float32),
        ],
    )(ipd, T)


def _deflate_argmax_body(ipd_ref, tm0_ref, t_ref, idx_ref, r0_ref, cur1_ref,
                         best_ref):
    gi = pl.program_id(0)

    @pl.when(gi == 0)
    def _():
        tm0 = tm0_ref[...]
        ipd = ipd_ref[...]
        num = jnp.sum(tm0 * ipd, axis=1, keepdims=True)
        den = jnp.sum(tm0 * tm0, axis=1, keepdims=True)
        r0 = num / den
        r0_ref[...] = r0
        cur1_ref[...] = ipd - r0 * tm0

    m = lax.dot_general(
        cur1_ref[...], t_ref[...], (((1,), (1,)), ((), ())),
        preferred_element_type=jnp.float32,
    ) * (1.0 / SCALE)
    tmax, targ = _masked_tile_max(m, gi)

    @pl.when(gi == 0)
    def _():
        best_ref[...] = tmax
        idx_ref[...] = targ

    @pl.when(gi > 0)
    def _():
        upd = tmax > best_ref[...]
        best_ref[...] = jnp.where(upd, tmax, best_ref[...])
        idx_ref[...] = jnp.where(upd, targ, idx_ref[...])


def _deflate_argmax(ipd, tmax0, T):
    return pl.pallas_call(
        _deflate_argmax_body,
        grid=(NGT,),
        in_specs=[
            pl.BlockSpec((BT, D), lambda i: (0, 0)),
            pl.BlockSpec((BT, D), lambda i: (0, 0)),
            pl.BlockSpec((TILE_G, D), lambda i: (i, 0)),
        ],
        out_specs=[
            pl.BlockSpec((BT, 1), lambda i: (0, 0)),
            pl.BlockSpec((BT, 1), lambda i: (0, 0)),
            pl.BlockSpec((BT, D), lambda i: (0, 0)),
            pl.BlockSpec((BT, 1), lambda i: (0, 0)),
        ],
        out_shape=[
            jax.ShapeDtypeStruct((BT, 1), jnp.int32),
            jax.ShapeDtypeStruct((BT, 1), jnp.float32),
            jax.ShapeDtypeStruct((BT, D), jnp.float32),
            jax.ShapeDtypeStruct((BT, 1), jnp.float32),
        ],
    )(ipd, tmax0, T)


def _finalize_body(tm1_ref, cur1_ref, idx0_ref, idx1_ref, doa_ref,
                   doa4_ref, r1_ref):
    tm1 = tm1_ref[...]
    cur1 = cur1_ref[...]
    num = jnp.sum(tm1 * cur1, axis=1, keepdims=True)
    den = jnp.sum(tm1 * tm1, axis=1, keepdims=True)
    r1_ref[...] = num / den

    col = lax.broadcasted_iota(jnp.int32, (BT, NAZI), 1)
    ele = doa_ref[0:1, :]
    azi = doa_ref[1:2, :]
    i0 = idx0_ref[...]
    i1 = idx1_ref[...]
    e0 = jnp.sum(jnp.where(col == i0 // NAZI, ele, 0.0), axis=1, keepdims=True)
    e1 = jnp.sum(jnp.where(col == i1 // NAZI, ele, 0.0), axis=1, keepdims=True)
    a0 = jnp.sum(jnp.where(col == i0 % NAZI, azi, 0.0), axis=1, keepdims=True)
    a1 = jnp.sum(jnp.where(col == i1 % NAZI, azi, 0.0), axis=1, keepdims=True)
    doa4_ref[...] = jnp.concatenate([e0, e1, a0, a1], axis=1)


def _finalize(tmax1, cur1, idx0, idx1, doa_candidate):
    return pl.pallas_call(
        _finalize_body,
        out_shape=[
            jax.ShapeDtypeStruct((BT, 4), jnp.float32),
            jax.ShapeDtypeStruct((BT, 1), jnp.float32),
        ],
    )(tmax1, cur1, idx0, idx1, doa_candidate)


@functools.lru_cache(maxsize=1)
def _make_sc_gather():
    nc, ns = 2, 16
    nw = nc * ns
    b_per_w = BT_PAD // nw
    mesh = plsc.VectorSubcoreMesh(
        core_axis_name="c", subcore_axis_name="s", num_cores=nc,
        num_subcores=ns)

    @functools.partial(
        pl.kernel,
        mesh=mesh,
        out_type=jax.ShapeDtypeStruct((BT_PAD, D), jnp.float32),
        scratch_types=[
            pltpu.VMEM((b_per_w,), jnp.int32),
            pltpu.VMEM((b_per_w, D), jnp.float32),
            pltpu.SemaphoreType.DMA,
        ],
    )
    def gather_rows(table_hbm, idx_hbm, out_hbm, idx_v, rows_v, sem):
        wid = lax.axis_index("s") * nc + lax.axis_index("c")
        base = wid * b_per_w
        pltpu.sync_copy(idx_hbm.at[pl.ds(base, b_per_w)], idx_v)
        pltpu.async_copy(table_hbm.at[idx_v], rows_v, sem).wait()
        pltpu.sync_copy(rows_v, out_hbm.at[pl.ds(base, b_per_w)])

    return gather_rows


def _sc_gather(table, idx):
    return _make_sc_gather()(table, idx)


def _pad_idx(idx):
    return jnp.pad(idx.reshape(BT), (0, BT_PAD - BT))


def kernel(pred_ipd, dpipd_template, doa_candidate):
    pred_ipd = lax.stop_gradient(pred_ipd)
    ipd = pred_ipd.reshape(BT, D)
    T = dpipd_template.reshape(NG, D)

    ss, idx0, _ = _ss_argmax(ipd, T)
    tmax0 = _sc_gather(T, _pad_idx(idx0))[:BT]
    idx1, ratio0, cur1, _ = _deflate_argmax(ipd, tmax0, T)
    tmax1 = _sc_gather(T, _pad_idx(idx1))[:BT]
    doa4, ratio1 = _finalize(tmax1, cur1, idx0, idx1, doa_candidate)

    pred_ss = ss.reshape(NB, NT, NELE, NAZI)
    pred_DOAs = doa4.reshape(NB, NT, 2, 2)
    pred_VADs = jnp.concatenate([ratio0, ratio1], axis=1).reshape(NB, NT, 2)
    return (pred_DOAs, pred_VADs, pred_ss)

# --- scband reference (transcript-rebuilt; emitter-appended) ---
"""Pipeline reference for scband-source-detect-localize-9242769622019 (READ-ONLY COPY).

The authoritative reference and input builder live on the scoring server;
editing this copy changes nothing except your own understanding.
"""

import jax, jax.numpy as jnp
import numpy as np

MAX_NUM_SOURCES = 2


def setup_inputs(seed: int = 0) -> dict:
    key = jax.random.key(seed)
    k1, k2, k3 = jax.random.split(key, 3)
    pred_ipd = jax.random.normal(k1, (8, 100, 128, 2), dtype=jnp.float32)
    dpipd_template = jax.random.normal(k2, (73, 73, 128, 2), dtype=jnp.float32)
    doa_candidate = jax.random.uniform(k3, (2, 73), dtype=jnp.float32)
    return {"pred_ipd": pred_ipd, "dpipd_template": dpipd_template, "doa_candidate": doa_candidate}


def reference(pred_ipd, dpipd_template, doa_candidate):
    # torch module detaches pred_ipd at the start
    pred_ipd = jax.lax.stop_gradient(pred_ipd)
    nb, nt, nf, nmic = pred_ipd.shape
    nele, nazi = dpipd_template.shape[0], dpipd_template.shape[1]
    ele_candidate = doa_candidate[0]
    azi_candidate = doa_candidate[1]
    scale = (nmic * nf) / 2.0
    # [nele*nazi, nf*nmic] template matrix (matches permute/view in torch: bmm over nmic*nf dim)
    T = dpipd_template.reshape(nele * nazi, nf * nmic)
    ipd = pred_ipd.reshape(nb, nt, nf * nmic)
    # spatial spectrum from the ORIGINAL pred_ipd
    pred_ss = jnp.einsum('btd,gd->btg', ipd, T) / scale
    pred_ss = pred_ss.reshape(nb, nt, nele, nazi)

    doas = []
    vads = []
    cur = ipd
    for source_idx in range(MAX_NUM_SOURCES):
        m = jnp.einsum('btd,gd->btg', cur, T) / scale  # [nb, nt, nele*nazi]
        max_flat_idx = jnp.argmax(m, axis=2)           # [nb, nt]
        ele_max_idx = max_flat_idx // nazi
        azi_max_idx = max_flat_idx % nazi
        pred_DOA = jnp.stack((ele_candidate[ele_max_idx], azi_candidate[azi_max_idx]), axis=-1)  # [nb, nt, 2]
        doas.append(pred_DOA)
        # gather the matched template row per (b, t)
        tmax = T[max_flat_idx]  # [nb, nt, nf*nmic]
        ratio = jnp.sum(tmax * cur, axis=-1) / jnp.sum(tmax * tmax, axis=-1)  # [nb, nt]
        vads.append(ratio)  # source_num_mode == 'unkNum'
        # iterative deflation (IDL)
        cur = cur - ratio[..., None] * tmax
    pred_DOAs = jnp.stack(doas, axis=-1).astype(jnp.float32)  # [nb, nt, 2, S]
    pred_VADs = jnp.stack(vads, axis=-1).astype(jnp.float32)  # [nb, nt, S]
    # torch writes DOAs/VADs into requires_grad=False buffers
    pred_DOAs = jax.lax.stop_gradient(pred_DOAs)
    pred_VADs = jax.lax.stop_gradient(pred_VADs)
    return (pred_DOAs, pred_VADs, pred_ss)

if __name__ == "__main__":
    import jax
    _d = setup_inputs()
    print(jax.jit(kernel)(*tuple(_d.values())))

</pallas_src>

<mosaic_0001>
#map = affine_map<(d0, d1) -> (0, 0)>
#map1 = affine_map<(d0, d1) -> (0)>
module attributes {stable_mosaic.version = 14 : i64} {
  func.func @gather_rows(%arg0: i32, %arg1: i32, %arg2: memref<5329x256xf32, #tpu.memory_space<hbm>>, %arg3: memref<1024xi32, #tpu.memory_space<hbm>>, %arg4: memref<1024x256xf32, #tpu.memory_space<hbm>>, %arg5: memref<32xi32, #tpu.memory_space<vmem>>, %arg6: memref<32x256xf32, #tpu.memory_space<vmem>>, %arg7: memref<!tpu.dma_semaphore, #tpu.memory_space<semaphore_mem>>) attributes {dimension_semantics = [#tpu.dimension_semantics<core_parallel>, #tpu.dimension_semantics<subcore_parallel>], iteration_bounds = array<i64: 2, 16>, scalar_prefetch = 0 : i64, scratch_operands = 3 : i64, tpu.core_type = #tpu.core_type<sc_vector_subcore>, window_params = [{transform_indices = #map}, {transform_indices = #map1}, {transform_indices = #map}]} {
    %mul3A = arith.constant 2 : i32
    %mul3A_0 = arith.muli %arg1, %mul3A : i32
    %add3A = arith.addi %mul3A_0, %arg0 : i32
    %mul3A_1 = arith.constant 32 : i32
    %mul3A_2 = arith.muli %add3A, %mul3A_1 : i32
    "tpu.region"() ({
      %run_scoped3A = tpu.sem_alloc : memref<!tpu.dma_semaphore, #tpu.memory_space<semaphore_mem>>
      %dma_start3A_7 = tpu.memref_slice %arg3[%mul3A_2] : memref<1024xi32, #tpu.memory_space<hbm>> -> memref<32xi32, #tpu.memory_space<hbm>>
      %dma_start3A_8 = tpu.memref_slice %arg3[%mul3A_2] : memref<1024xi32, #tpu.memory_space<hbm>> -> memref<32xi32, #tpu.memory_space<hbm>>
      tpu.enqueue_dma source(%dma_start3A_8 : memref<32xi32, #tpu.memory_space<hbm>>) target(%arg5 : memref<32xi32, #tpu.memory_space<vmem>>) target_semaphore(%run_scoped3A : memref<!tpu.dma_semaphore, #tpu.memory_space<semaphore_mem>>)
      %dma_wait3A_9 = tpu.memref_slice %arg3[%mul3A_2] : memref<1024xi32, #tpu.memory_space<hbm>> -> memref<32xi32, #tpu.memory_space<hbm>>
      %dma_wait3A_10 = tpu.memref_slice %arg3[%mul3A_2] : memref<1024xi32, #tpu.memory_space<hbm>> -> memref<32xi32, #tpu.memory_space<hbm>>
      tpu.wait_dma2 semaphore(%run_scoped3A : memref<!tpu.dma_semaphore, #tpu.memory_space<semaphore_mem>>) src(%dma_wait3A_10 : memref<32xi32, #tpu.memory_space<hbm>>) dst(%arg5 : memref<32xi32, #tpu.memory_space<vmem>>)
      tpu.yield
    }) : () -> ()
    %dma_start3A = arith.constant 0 : i32
    %dma_start3A_3 = arith.constant 0 : i32
    %dma_start3A_4 = tpu.memref_slice %arg2[%dma_start3A, %dma_start3A_3] : memref<5329x256xf32, #tpu.memory_space<hbm>> -> memref<5329x256xf32, #tpu.memory_space<hbm>>
    tpu.enqueue_indirect_dma source(%dma_start3A_4 : memref<5329x256xf32, #tpu.memory_space<hbm>>) target(%arg6 : memref<32x256xf32, #tpu.memory_space<vmem>>) offsets(%arg5 : memref<32xi32, #tpu.memory_space<vmem>>) semaphore(%arg7 : memref<!tpu.dma_semaphore, #tpu.memory_space<semaphore_mem>>)
    %dma_wait3A = arith.constant 0 : i32
    %dma_wait3A_5 = arith.constant 0 : i32
    %dma_wait3A_6 = tpu.memref_slice %arg2[%dma_wait3A, %dma_wait3A_5] : memref<5329x256xf32, #tpu.memory_space<hbm>> -> memref<5329x256xf32, #tpu.memory_space<hbm>>
    tpu.wait_indirect_dma semaphore(%arg7 : memref<!tpu.dma_semaphore, #tpu.memory_space<semaphore_mem>>) src(%dma_wait3A_6 : memref<5329x256xf32, #tpu.memory_space<hbm>>) dst(%arg6 : memref<32x256xf32, #tpu.memory_space<vmem>>)
    "tpu.region"() ({
      %run_scoped3A = tpu.sem_alloc : memref<!tpu.dma_semaphore, #tpu.memory_space<semaphore_mem>>
      %dma_start3A_7 = arith.constant 0 : i32
      %dma_start3A_8 = tpu.memref_slice %arg4[%mul3A_2, %dma_start3A_7] : memref<1024x256xf32, #tpu.memory_space<hbm>> -> memref<32x256xf32, #tpu.memory_space<hbm>>
      %dma_start3A_9 = arith.constant 0 : i32
      %dma_start3A_10 = tpu.memref_slice %arg4[%mul3A_2, %dma_start3A_9] : memref<1024x256xf32, #tpu.memory_space<hbm>> -> memref<32x256xf32, #tpu.memory_space<hbm>>
      tpu.enqueue_dma source(%arg6 : memref<32x256xf32, #tpu.memory_space<vmem>>) target(%dma_start3A_10 : memref<32x256xf32, #tpu.memory_space<hbm>>) target_semaphore(%run_scoped3A : memref<!tpu.dma_semaphore, #tpu.memory_space<semaphore_mem>>)
      %dma_wait3A_11 = arith.constant 0 : i32
      %dma_wait3A_12 = tpu.memref_slice %arg4[%mul3A_2, %dma_wait3A_11] : memref<1024x256xf32, #tpu.memory_space<hbm>> -> memref<32x256xf32, #tpu.memory_space<hbm>>
      %dma_wait3A_13 = arith.constant 0 : i32
      %dma_wait3A_14 = tpu.memref_slice %arg4[%mul3A_2, %dma_wait3A_13] : memref<1024x256xf32, #tpu.memory_space<hbm>> -> memref<32x256xf32, #tpu.memory_space<hbm>>
      tpu.wait_dma2 semaphore(%run_scoped3A : memref<!tpu.dma_semaphore, #tpu.memory_space<semaphore_mem>>) src(%arg6 : memref<32x256xf32, #tpu.memory_space<vmem>>) dst(%dma_wait3A_14 : memref<32x256xf32, #tpu.memory_space<hbm>>)
      tpu.yield
    }) : () -> ()
    return
  }
}

#map = affine_map<(d0, d1) -> (0, 0)>
#map1 = affine_map<(d0, d1) -> (0)>
module attributes {stable_mosaic.version = 14 : i64} {
  func.func @gather_rows(%arg0: i32, %arg1: i32, %arg2: memref<5329x256xf32, #tpu.memory_space<hbm>>, %arg3: memref<1024xi32, #tpu.memory_space<hbm>>, %arg4: memref<1024x256xf32, #tpu.memory_space<hbm>>, %arg5: memref<32xi32, #tpu.memory_space<vmem>>, %arg6: memref<32x256xf32, #tpu.memory_space<vmem>>, %arg7: memref<!tpu.dma_semaphore, #tpu.memory_space<semaphore_mem>>) attributes {dimension_semantics = [#tpu.dimension_semantics<core_parallel>, #tpu.dimension_semantics<subcore_parallel>], iteration_bounds = array<i64: 2, 16>, scalar_prefetch = 0 : i64, scratch_operands = 3 : i64, tpu.core_type = #tpu.core_type<sc_vector_subcore>, window_params = [{transform_indices = #map}, {transform_indices = #map1}, {transform_indices = #map}]} {
    %mul3A = arith.constant 2 : i32
    %mul3A_0 = arith.muli %arg1, %mul3A : i32
    %add3A = arith.addi %mul3A_0, %arg0 : i32
    %mul3A_1 = arith.constant 32 : i32
    %mul3A_2 = arith.muli %add3A, %mul3A_1 : i32
    "tpu.region"() ({
      %run_scoped3A = tpu.sem_alloc : memref<!tpu.dma_semaphore, #tpu.memory_space<semaphore_mem>>
      %dma_start3A_7 = tpu.memref_slice %arg3[%mul3A_2] : memref<1024xi32, #tpu.memory_space<hbm>> -> memref<32xi32, #tpu.memory_space<hbm>>
      %dma_start3A_8 = tpu.memref_slice %arg3[%mul3A_2] : memref<1024xi32, #tpu.memory_space<hbm>> -> memref<32xi32, #tpu.memory_space<hbm>>
      tpu.enqueue_dma source(%dma_start3A_8 : memref<32xi32, #tpu.memory_space<hbm>>) target(%arg5 : memref<32xi32, #tpu.memory_space<vmem>>) target_semaphore(%run_scoped3A : memref<!tpu.dma_semaphore, #tpu.memory_space<semaphore_mem>>)
      %dma_wait3A_9 = tpu.memref_slice %arg3[%mul3A_2] : memref<1024xi32, #tpu.memory_space<hbm>> -> memref<32xi32, #tpu.memory_space<hbm>>
      %dma_wait3A_10 = tpu.memref_slice %arg3[%mul3A_2] : memref<1024xi32, #tpu.memory_space<hbm>> -> memref<32xi32, #tpu.memory_space<hbm>>
      tpu.wait_dma2 semaphore(%run_scoped3A : memref<!tpu.dma_semaphore, #tpu.memory_space<semaphore_mem>>) src(%dma_wait3A_10 : memref<32xi32, #tpu.memory_space<hbm>>) dst(%arg5 : memref<32xi32, #tpu.memory_space<vmem>>)
      tpu.yield
    }) : () -> ()
    %dma_start3A = arith.constant 0 : i32
    %dma_start3A_3 = arith.constant 0 : i32
    %dma_start3A_4 = tpu.memref_slice %arg2[%dma_start3A, %dma_start3A_3] : memref<5329x256xf32, #tpu.memory_space<hbm>> -> memref<5329x256xf32, #tpu.memory_space<hbm>>
    tpu.enqueue_indirect_dma source(%dma_start3A_4 : memref<5329x256xf32, #tpu.memory_space<hbm>>) target(%arg6 : memref<32x256xf32, #tpu.memory_space<vmem>>) offsets(%arg5 : memref<32xi32, #tpu.memory_space<vmem>>) semaphore(%arg7 : memref<!tpu.dma_semaphore, #tpu.memory_space<semaphore_mem>>)
    %dma_wait3A = arith.constant 0 : i32
    %dma_wait3A_5 = arith.constant 0 : i32
    %dma_wait3A_6 = tpu.memref_slice %arg2[%dma_wait3A, %dma_wait3A_5] : memref<5329x256xf32, #tpu.memory_space<hbm>> -> memref<5329x256xf32, #tpu.memory_space<hbm>>
    tpu.wait_indirect_dma semaphore(%arg7 : memref<!tpu.dma_semaphore, #tpu.memory_space<semaphore_mem>>) src(%dma_wait3A_6 : memref<5329x256xf32, #tpu.memory_space<hbm>>) dst(%arg6 : memref<32x256xf32, #tpu.memory_space<vmem>>)
    "tpu.region"() ({
      %run_scoped3A = tpu.sem_alloc : memref<!tpu.dma_semaphore, #tpu.memory_space<semaphore_mem>>
      %dma_start3A_7 = arith.constant 0 : i32
      %dma_start3A_8 = tpu.memref_slice %arg4[%mul3A_2, %dma_start3A_7] : memref<1024x256xf32, #tpu.memory_space<hbm>> -> memref<32x256xf32, #tpu.memory_space<hbm>>
      %dma_start3A_9 = arith.constant 0 : i32
      %dma_start3A_10 = tpu.memref_slice %arg4[%mul3A_2, %dma_start3A_9] : memref<1024x256xf32, #tpu.memory_space<hbm>> -> memref<32x256xf32, #tpu.memory_space<hbm>>
      tpu.enqueue_dma source(%arg6 : memref<32x256xf32, #tpu.memory_space<vmem>>) target(%dma_start3A_10 : memref<32x256xf32, #tpu.memory_space<hbm>>) target_semaphore(%run_scoped3A : memref<!tpu.dma_semaphore, #tpu.memory_space<semaphore_mem>>)
      %dma_wait3A_11 = arith.constant 0 : i32
      %dma_wait3A_12 = tpu.memref_slice %arg4[%mul3A_2, %dma_wait3A_11] : memref<1024x256xf32, #tpu.memory_space<hbm>> -> memref<32x256xf32, #tpu.memory_space<hbm>>
      %dma_wait3A_13 = arith.constant 0 : i32
      %dma_wait3A_14 = tpu.memref_slice %arg4[%mul3A_2, %dma_wait3A_13] : memref<1024x256xf32, #tpu.memory_space<hbm>> -> memref<32x256xf32, #tpu.memory_space<hbm>>
      tpu.wait_dma2 semaphore(%run_scoped3A : memref<!tpu.dma_semaphore, #tpu.memory_space<semaphore_mem>>) src(%arg6 : memref<32x256xf32, #tpu.memory_space<vmem>>) dst(%dma_wait3A_14 : memref<32x256xf32, #tpu.memory_space<hbm>>)
      tpu.yield
    }) : () -> ()
    return
  }
}

module attributes {stable_mosaic.version = 14 : i64} {
  func.func @_ss_argmax_body(%arg0: i32, %arg1: memref<800x256xf32, #tpu.memory_space<vmem>>, %arg2: memref<512x256xf32, #tpu.memory_space<vmem>>, %arg3: memref<800x512xf32, #tpu.memory_space<vmem>>, %arg4: memref<800x1xi32, #tpu.memory_space<vmem>>, %arg5: memref<800x1xf32, #tpu.memory_space<vmem>>) attributes {dimension_semantics = [#tpu.dimension_semantics<arbitrary>], iteration_bounds = array<i64: 11>, scalar_prefetch = 0 : i64, scratch_operands = 0 : i64, tpu.core_type = #tpu.core_type<tc>, window_params = [{pipeline_mode = #tpu.pipeline_mode<synchronous>, transform_indices = @transform_0, window_bounds = array<i64: 800, 256>}, {transform_indices = @transform_1, window_bounds = array<i64: 512, 256>}, {transform_indices = @transform_2, window_bounds = array<i64: 800, 512>}, {pipeline_mode = #tpu.pipeline_mode<synchronous>, transform_indices = @transform_3, window_bounds = array<i64: 800, 1>}, {pipeline_mode = #tpu.pipeline_mode<synchronous>, transform_indices = @transform_4, window_bounds = array<i64: 800, 1>}]} {
    %get3A = arith.constant 0 : index
    %get3A_0 = arith.constant 0 : index
    %get3A_1 = vector.load %arg1[%get3A, %get3A_0] : memref<800x256xf32, #tpu.memory_space<vmem>>, vector<800x256xf32>
    %get3A_2 = arith.constant 0 : index
    %get3A_3 = arith.constant 0 : index
    %get3A_4 = vector.load %arg2[%get3A_2, %get3A_3] : memref<512x256xf32, #tpu.memory_space<vmem>>, vector<512x256xf32>
    %dot_general3A = arith.constant dense<0.000000e+00> : vector<800x512xf32>
    %dot_general3A_5 = tpu.matmul %get3A_1, %get3A_4, %dot_general3A {dimension_numbers = #tpu.dot_dimension_numbers<[1], [1], [0], [0], [0, 0, 1, 0], [], []>, transpose_lhs_hint = false} : vector<800x256xf32>, vector<512x256xf32>, vector<800x512xf32> -> vector<800x512xf32>
    %mul3A = arith.constant 7.812500e-03 : f32
    %mul3A_6 = vector.broadcast %mul3A : f32 to vector<800x512xf32>
    %mul3A_7 = arith.mulf %dot_general3A_5, %mul3A_6 : vector<800x512xf32>
    %swap3A = arith.constant 0 : index
    %swap3A_8 = arith.constant 0 : index
    %swap3A_9 = vector.load %arg3[%swap3A, %swap3A_8] : memref<800x512xf32, #tpu.memory_space<vmem>>, vector<800x512xf32>
    tpu.vector_store %arg3[%swap3A, %swap3A_8], %mul3A_7 {strides = array<i32>} : memref<800x512xf32, #tpu.memory_space<vmem>>, vector<800x512xf32>,
    %mul3A_10 = arith.constant 512 : i32
    %mul3A_11 = arith.muli %arg0, %mul3A_10 : i32
    %iota3A = tpu.iota {dimensions = array<i32: 1>} : vector<800x512xi32>
    %add3A = vector.broadcast %mul3A_11 : i32 to vector<800x512xi32>
    %add3A_12 = arith.addi %add3A, %iota3A : vector<800x512xi32>
    %lt3A = arith.constant 5329 : i32
    %lt3A_13 = vector.broadcast %lt3A : i32 to vector<800x512xi32>
    %lt3A_14 = arith.cmpi slt, %add3A_12, %lt3A_13 : vector<800x512xi32>
    %jit3A = arith.constant 0xFF800000 : f32
    %broadcast_in_dim3A = vector.broadcast %jit3A : f32 to vector<800x512xf32>
    %select_n3A = arith.select %lt3A_14, %mul3A_7, %broadcast_in_dim3A : vector<800x512xi1>, vector<800x512xf32>
    %reduce_max3A = arith.constant dense<0xFF800000> : vector<800xf32>
    %reduce_max3A_15 = vector.multi_reduction <maximumf>, %select_n3A, %reduce_max3A [1] : vector<800x512xf32> to vector<800xf32>
    %broadcast_in_dim3A_16 = vector.shape_cast %reduce_max3A_15 : vector<800xf32> to vector<800x1xf32>
    %eq3A = vector.broadcast %broadcast_in_dim3A_16 : vector<800x1xf32> to vector<800x512xf32>
    %eq3A_17 = arith.cmpf oeq, %select_n3A, %eq3A : vector<800x512xf32>
    %jit3A_18 = arith.constant 5329 : i32
    %broadcast_in_dim3A_19 = vector.broadcast %jit3A_18 : i32 to vector<800x512xi32>
    %select_n3A_20 = arith.select %eq3A_17, %add3A_12, %broadcast_in_dim3A_19 : vector<800x512xi1>, vector<800x512xi32>
    %reduce_min3A = arith.constant dense<2147483647> : vector<800xi32>
    %reduce_min3A_21 = vector.multi_reduction <minsi>, %select_n3A_20, %reduce_min3A [1] : vector<800x512xi32> to vector<800xi32>
    %broadcast_in_dim3A_22 = vector.shape_cast %reduce_min3A_21 : vector<800xi32> to vector<800x1xi32>
    %eq3A_23 = arith.constant 0 : i32
    %eq3A_24 = arith.cmpi eq, %arg0, %eq3A_23 : i32
    %convert_element_type3A = arith.extui %eq3A_24 : i1 to i32
    %cond3A = arith.constant 0 : i32
    %cond3A_25 = arith.cmpi ne, %convert_element_type3A, %cond3A : i32
    scf.if %cond3A_25 {
      %swap3A_30 = arith.constant 0 : index
      %swap3A_31 = arith.constant 0 : index
      %swap3A_32 = vector.load %arg5[%swap3A_30, %swap3A_31] : memref<800x1xf32, #tpu.memory_space<vmem>>, vector<800x1xf32>
      tpu.vector_store %arg5[%swap3A_30, %swap3A_31], %broadcast_in_dim3A_16 {strides = array<i32>} : memref<800x1xf32, #tpu.memory_space<vmem>>, vector<800x1xf32>,
      %swap3A_33 = arith.constant 0 : index
      %swap3A_34 = arith.constant 0 : index
      %swap3A_35 = vector.load %arg4[%swap3A_33, %swap3A_34] : memref<800x1xi32, #tpu.memory_space<vmem>>, vector<800x1xi32>
      tpu.vector_store %arg4[%swap3A_33, %swap3A_34], %broadcast_in_dim3A_22 {strides = array<i32>} : memref<800x1xi32, #tpu.memory_space<vmem>>, vector<800x1xi32>,
    } else {
    }
    %gt3A = arith.constant 0 : i32
    %gt3A_26 = arith.cmpi sgt, %arg0, %gt3A : i32
    %convert_element_type3A_27 = arith.extui %gt3A_26 : i1 to i32
    %cond3A_28 = arith.constant 0 : i32
    %cond3A_29 = arith.cmpi ne, %convert_element_type3A_27, %cond3A_28 : i32
    scf.if %cond3A_29 {
      %get3A_30 = arith.constant 0 : index
      %get3A_31 = arith.constant 0 : index
      %get3A_32 = vector.load %arg5[%get3A_30, %get3A_31] : memref<800x1xf32, #tpu.memory_space<vmem>>, vector<800x1xf32>
      %gt3A_33 = arith.cmpf ogt, %broadcast_in_dim3A_16, %get3A_32 : vector<800x1xf32>
      %get3A_34 = arith.constant 0 : index
      %get3A_35 = arith.constant 0 : index
      %get3A_36 = vector.load %arg5[%get3A_34, %get3A_35] : memref<800x1xf32, #tpu.memory_space<vmem>>, vector<800x1xf32>
      %select_n3A_37 = arith.select %gt3A_33, %broadcast_in_dim3A_16, %get3A_36 : vector<800x1xi1>, vector<800x1xf32>
      %swap3A_38 = arith.constant 0 : index
      %swap3A_39 = arith.constant 0 : index
      %swap3A_40 = vector.load %arg5[%swap3A_38, %swap3A_39] : memref<800x1xf32, #tpu.memory_space<vmem>>, vector<800x1xf32>
      tpu.vector_store %arg5[%swap3A_38, %swap3A_39], %select_n3A_37 {strides = array<i32>} : memref<800x1xf32, #tpu.memory_space<vmem>>, vector<800x1xf32>,
      %get3A_41 = arith.constant 0 : index
      %get3A_42 = arith.constant 0 : index
      %get3A_43 = vector.load %arg4[%get3A_41, %get3A_42] : memref<800x1xi32, #tpu.memory_space<vmem>>, vector<800x1xi32>
      %select_n3A_44 = arith.select %gt3A_33, %broadcast_in_dim3A_22, %get3A_43 : vector<800x1xi1>, vector<800x1xi32>
      %swap3A_45 = arith.constant 0 : index
      %swap3A_46 = arith.constant 0 : index
      %swap3A_47 = vector.load %arg4[%swap3A_45, %swap3A_46] : memref<800x1xi32, #tpu.memory_space<vmem>>, vector<800x1xi32>
      tpu.vector_store %arg4[%swap3A_45, %swap3A_46], %select_n3A_44 {strides = array<i32>} : memref<800x1xi32, #tpu.memory_space<vmem>>, vector<800x1xi32>,
    } else {
    }
    return
  }
  func.func @transform_0(%arg0: i32) -> (i32, i32) {
    %c0_i32 = arith.constant 0 : i32
    %c0_i32_0 = arith.constant 0 : i32
    %c0_i32_1 = arith.constant 0 : i32
    return %c0_i32, %c0_i32_0 : i32, i32
  }
  func.func @transform_1(%arg0: i32) -> (i32, i32) {
    %c0_i32 = arith.constant 0 : i32
    %c0_i32_0 = arith.constant 0 : i32
    return %arg0, %c0_i32 : i32, i32
  }
  func.func @transform_2(%arg0: i32) -> (i32, i32) {
    %c0_i32 = arith.constant 0 : i32
    %c0_i32_0 = arith.constant 0 : i32
    return %c0_i32, %arg0 : i32, i32
  }
  func.func @transform_3(%arg0: i32) -> (i32, i32) {
    %c0_i32 = arith.constant 0 : i32
    %c0_i32_0 = arith.constant 0 : i32
    %c0_i32_1 = arith.constant 0 : i32
    return %c0_i32, %c0_i32_0 : i32, i32
  }
  func.func @transform_4(%arg0: i32) -> (i32, i32) {
    %c0_i32 = arith.constant 0 : i32
    %c0_i32_0 = arith.constant 0 : i32
    %c0_i32_1 = arith.constant 0 : i32
    return %c0_i32, %c0_i32_0 : i32, i32
  }
}

module attributes {stable_mosaic.version = 14 : i64} {
  func.func @_deflate_argmax_body(%arg0: i32, %arg1: memref<800x256xf32, #tpu.memory_space<vmem>>, %arg2: memref<800x256xf32, #tpu.memory_space<vmem>>, %arg3: memref<512x256xf32, #tpu.memory_space<vmem>>, %arg4: memref<800x1xi32, #tpu.memory_space<vmem>>, %arg5: memref<800x1xf32, #tpu.memory_space<vmem>>, %arg6: memref<800x256xf32, #tpu.memory_space<vmem>>, %arg7: memref<800x1xf32, #tpu.memory_space<vmem>>) attributes {dimension_semantics = [#tpu.dimension_semantics<arbitrary>], iteration_bounds = array<i64: 11>, scalar_prefetch = 0 : i64, scratch_operands = 0 : i64, tpu.core_type = #tpu.core_type<tc>, window_params = [{pipeline_mode = #tpu.pipeline_mode<synchronous>, transform_indices = @transform_0, window_bounds = array<i64: 800, 256>}, {pipeline_mode = #tpu.pipeline_mode<synchronous>, transform_indices = @transform_1, window_bounds = array<i64: 800, 256>}, {transform_indices = @transform_2, window_bounds = array<i64: 512, 256>}, {pipeline_mode = #tpu.pipeline_mode<synchronous>, transform_indices = @transform_3, window_bounds = array<i64: 800, 1>}, {pipeline_mode = #tpu.pipeline_mode<synchronous>, transform_indices = @transform_4, window_bounds = array<i64: 800, 1>}, {pipeline_mode = #tpu.pipeline_mode<synchronous>, transform_indices = @transform_5, window_bounds = array<i64: 800, 256>}, {pipeline_mode = #tpu.pipeline_mode<synchronous>, transform_indices = @transform_6, window_bounds = array<i64: 800, 1>}]} {
    %eq3A = arith.constant 0 : i32
    %eq3A_0 = arith.cmpi eq, %arg0, %eq3A : i32
    %convert_element_type3A = arith.extui %eq3A_0 : i1 to i32
    %cond3A = arith.constant 0 : i32
    %cond3A_1 = arith.cmpi ne, %convert_element_type3A, %cond3A : i32
    scf.if %cond3A_1 {
      %get3A_33 = arith.constant 0 : index
      %get3A_34 = arith.constant 0 : index
      %get3A_35 = vector.load %arg2[%get3A_33, %get3A_34] : memref<800x256xf32, #tpu.memory_space<vmem>>, vector<800x256xf32>
      %get3A_36 = arith.constant 0 : index
      %get3A_37 = arith.constant 0 : index
      %get3A_38 = vector.load %arg1[%get3A_36, %get3A_37] : memref<800x256xf32, #tpu.memory_space<vmem>>, vector<800x256xf32>
      %mul3A_39 = arith.mulf %get3A_35, %get3A_38 : vector<800x256xf32>
      %reduce_sum3A = arith.constant dense<0.000000e+00> : vector<800xf32>
      %reduce_sum3A_40 = vector.multi_reduction <add>, %mul3A_39, %reduce_sum3A [1] : vector<800x256xf32> to vector<800xf32>
      %broadcast_in_dim3A_41 = vector.shape_cast %reduce_sum3A_40 : vector<800xf32> to vector<800x1xf32>
      %mul3A_42 = arith.mulf %get3A_35, %get3A_35 : vector<800x256xf32>
      %reduce_sum3A_43 = arith.constant dense<0.000000e+00> : vector<800xf32>
      %reduce_sum3A_44 = vector.multi_reduction <add>, %mul3A_42, %reduce_sum3A_43 [1] : vector<800x256xf32> to vector<800xf32>
      %broadcast_in_dim3A_45 = vector.shape_cast %reduce_sum3A_44 : vector<800xf32> to vector<800x1xf32>
      %div3A = arith.divf %broadcast_in_dim3A_41, %broadcast_in_dim3A_45 : vector<800x1xf32>
      %swap3A = arith.constant 0 : index
      %swap3A_46 = arith.constant 0 : index
      %swap3A_47 = vector.load %arg5[%swap3A, %swap3A_46] : memref<800x1xf32, #tpu.memory_space<vmem>>, vector<800x1xf32>
      tpu.vector_store %arg5[%swap3A, %swap3A_46], %div3A {strides = array<i32>} : memref<800x1xf32, #tpu.memory_space<vmem>>, vector<800x1xf32>,
      %mul3A_48 = vector.broadcast %div3A : vector<800x1xf32> to vector<800x256xf32>
      %mul3A_49 = arith.mulf %mul3A_48, %get3A_35 : vector<800x256xf32>
      %sub3A = arith.subf %get3A_38, %mul3A_49 : vector<800x256xf32>
      %swap3A_50 = arith.constant 0 : index
      %swap3A_51 = arith.constant 0 : index
      %swap3A_52 = vector.load %arg6[%swap3A_50, %swap3A_51] : memref<800x256xf32, #tpu.memory_space<vmem>>, vector<800x256xf32>
      tpu.vector_store %arg6[%swap3A_50, %swap3A_51], %sub3A {strides = array<i32>} : memref<800x256xf32, #tpu.memory_space<vmem>>, vector<800x256xf32>,
    } else {
    }
    %get3A = arith.constant 0 : index
    %get3A_2 = arith.constant 0 : index
    %get3A_3 = vector.load %arg6[%get3A, %get3A_2] : memref<800x256xf32, #tpu.memory_space<vmem>>, vector<800x256xf32>
    %get3A_4 = arith.constant 0 : index
    %get3A_5 = arith.constant 0 : index
    %get3A_6 = vector.load %arg3[%get3A_4, %get3A_5] : memref<512x256xf32, #tpu.memory_space<vmem>>, vector<512x256xf32>
    %dot_general3A = arith.constant dense<0.000000e+00> : vector<800x512xf32>
    %dot_general3A_7 = tpu.matmul %get3A_3, %get3A_6, %dot_general3A {dimension_numbers = #tpu.dot_dimension_numbers<[1], [1], [0], [0], [0, 0, 1, 0], [], []>, transpose_lhs_hint = false} : vector<800x256xf32>, vector<512x256xf32>, vector<800x512xf32> -> vector<800x512xf32>
    %mul3A = arith.constant 7.812500e-03 : f32
    %mul3A_8 = vector.broadcast %mul3A : f32 to vector<800x512xf32>
    %mul3A_9 = arith.mulf %dot_general3A_7, %mul3A_8 : vector<800x512xf32>
    %mul3A_10 = arith.constant 512 : i32
    %mul3A_11 = arith.muli %arg0, %mul3A_10 : i32
    %iota3A = tpu.iota {dimensions = array<i32: 1>} : vector<800x512xi32>
    %add3A = vector.broadcast %mul3A_11 : i32 to vector<800x512xi32>
    %add3A_12 = arith.addi %add3A, %iota3A : vector<800x512xi32>
    %lt3A = arith.constant 5329 : i32
    %lt3A_13 = vector.broadcast %lt3A : i32 to vector<800x512xi32>
    %lt3A_14 = arith.cmpi slt, %add3A_12, %lt3A_13 : vector<800x512xi32>
    %jit3A = arith.constant 0xFF800000 : f32
    %broadcast_in_dim3A = vector.broadcast %jit3A : f32 to vector<800x512xf32>
    %select_n3A = arith.select %lt3A_14, %mul3A_9, %broadcast_in_dim3A : vector<800x512xi1>, vector<800x512xf32>
    %reduce_max3A = arith.constant dense<0xFF800000> : vector<800xf32>
    %reduce_max3A_15 = vector.multi_reduction <maximumf>, %select_n3A, %reduce_max3A [1] : vector<800x512xf32> to vector<800xf32>
    %broadcast_in_dim3A_16 = vector.shape_cast %reduce_max3A_15 : vector<800xf32> to vector<800x1xf32>
    %eq3A_17 = vector.broadcast %broadcast_in_dim3A_16 : vector<800x1xf32> to vector<800x512xf32>
    %eq3A_18 = arith.cmpf oeq, %select_n3A, %eq3A_17 : vector<800x512xf32>
    %jit3A_19 = arith.constant 5329 : i32
    %broadcast_in_dim3A_20 = vector.broadcast %jit3A_19 : i32 to vector<800x512xi32>
    %select_n3A_21 = arith.select %eq3A_18, %add3A_12, %broadcast_in_dim3A_20 : vector<800x512xi1>, vector<800x512xi32>
    %reduce_min3A = arith.constant dense<2147483647> : vector<800xi32>
    %reduce_min3A_22 = vector.multi_reduction <minsi>, %select_n3A_21, %reduce_min3A [1] : vector<800x512xi32> to vector<800xi32>
    %broadcast_in_dim3A_23 = vector.shape_cast %reduce_min3A_22 : vector<800xi32> to vector<800x1xi32>
    %eq3A_24 = arith.constant 0 : i32
    %eq3A_25 = arith.cmpi eq, %arg0, %eq3A_24 : i32
    %convert_element_type3A_26 = arith.extui %eq3A_25 : i1 to i32
    %cond3A_27 = arith.constant 0 : i32
    %cond3A_28 = arith.cmpi ne, %convert_element_type3A_26, %cond3A_27 : i32
    scf.if %cond3A_28 {
      %swap3A = arith.constant 0 : index
      %swap3A_33 = arith.constant 0 : index
      %swap3A_34 = vector.load %arg7[%swap3A, %swap3A_33] : memref<800x1xf32, #tpu.memory_space<vmem>>, vector<800x1xf32>
      tpu.vector_store %arg7[%swap3A, %swap3A_33], %broadcast_in_dim3A_16 {strides = array<i32>} : memref<800x1xf32, #tpu.memory_space<vmem>>, vector<800x1xf32>,
      %swap3A_35 = arith.constant 0 : index
      %swap3A_36 = arith.constant 0 : index
      %swap3A_37 = vector.load %arg4[%swap3A_35, %swap3A_36] : memref<800x1xi32, #tpu.memory_space<vmem>>, vector<800x1xi32>
      tpu.vector_store %arg4[%swap3A_35, %swap3A_36], %broadcast_in_dim3A_23 {strides = array<i32>} : memref<800x1xi32, #tpu.memory_space<vmem>>, vector<800x1xi32>,
    } else {
    }
    %gt3A = arith.constant 0 : i32
    %gt3A_29 = arith.cmpi sgt, %arg0, %gt3A : i32
    %convert_element_type3A_30 = arith.extui %gt3A_29 : i1 to i32
    %cond3A_31 = arith.constant 0 : i32
    %cond3A_32 = arith.cmpi ne, %convert_element_type3A_30, %cond3A_31 : i32
    scf.if %cond3A_32 {
      %get3A_33 = arith.constant 0 : index
      %get3A_34 = arith.constant 0 : index
      %get3A_35 = vector.load %arg7[%get3A_33, %get3A_34] : memref<800x1xf32, #tpu.memory_space<vmem>>, vector<800x1xf32>
      %gt3A_36 = arith.cmpf ogt, %broadcast_in_dim3A_16, %get3A_35 : vector<800x1xf32>
      %get3A_37 = arith.constant 0 : index
      %get3A_38 = arith.constant 0 : index
      %get3A_39 = vector.load %arg7[%get3A_37, %get3A_38] : memref<800x1xf32, #tpu.memory_space<vmem>>, vector<800x1xf32>
      %select_n3A_40 = arith.select %gt3A_36, %broadcast_in_dim3A_16, %get3A_39 : vector<800x1xi1>, vector<800x1xf32>
      %swap3A = arith.constant 0 : index
      %swap3A_41 = arith.constant 0 : index
      %swap3A_42 = vector.load %arg7[%swap3A, %swap3A_41] : memref<800x1xf32, #tpu.memory_space<vmem>>, vector<800x1xf32>
      tpu.vector_store %arg7[%swap3A, %swap3A_41], %select_n3A_40 {strides = array<i32>} : memref<800x1xf32, #tpu.memory_space<vmem>>, vector<800x1xf32>,
      %get3A_43 = arith.constant 0 : index
      %get3A_44 = arith.constant 0 : index
      %get3A_45 = vector.load %arg4[%get3A_43, %get3A_44] : memref<800x1xi32, #tpu.memory_space<vmem>>, vector<800x1xi32>
      %select_n3A_46 = arith.select %gt3A_36, %broadcast_in_dim3A_23, %get3A_45 : vector<800x1xi1>, vector<800x1xi32>
      %swap3A_47 = arith.constant 0 : index
      %swap3A_48 = arith.constant 0 : index
      %swap3A_49 = vector.load %arg4[%swap3A_47, %swap3A_48] : memref<800x1xi32, #tpu.memory_space<vmem>>, vector<800x1xi32>
      tpu.vector_store %arg4[%swap3A_47, %swap3A_48], %select_n3A_46 {strides = array<i32>} : memref<800x1xi32, #tpu.memory_space<vmem>>, vector<800x1xi32>,
    } else {
    }
    return
  }
  func.func @transform_0(%arg0: i32) -> (i32, i32) {
    %c0_i32 = arith.constant 0 : i32
    %c0_i32_0 = arith.constant 0 : i32
    %c0_i32_1 = arith.constant 0 : i32
    return %c0_i32, %c0_i32_0 : i32, i32
  }
  func.func @transform_1(%arg0: i32) -> (i32, i32) {
    %c0_i32 = arith.constant 0 : i32
    %c0_i32_0 = arith.constant 0 : i32
    %c0_i32_1 = arith.constant 0 : i32
    return %c0_i32, %c0_i32_0 : i32, i32
  }
  func.func @transform_2(%arg0: i32) -> (i32, i32) {
    %c0_i32 = arith.constant 0 : i32
    %c0_i32_0 = arith.constant 0 : i32
    return %arg0, %c0_i32 : i32, i32
  }
  func.func @transform_3(%arg0: i32) -> (i32, i32) {
    %c0_i32 = arith.constant 0 : i32
    %c0_i32_0 = arith.constant 0 : i32
    %c0_i32_1 = arith.constant 0 : i32
    return %c0_i32, %c0_i32_0 : i32, i32
  }
  func.func @transform_4(%arg0: i32) -> (i32, i32) {
    %c0_i32 = arith.constant 0 : i32
    %c0_i32_0 = arith.constant 0 : i32
    %c0_i32_1 = arith.constant 0 : i32
    return %c0_i32, %c0_i32_0 : i32, i32
  }
  func.func @transform_5(%arg0: i32) -> (i32, i32) {
    %c0_i32 = arith.constant 0 : i32
    %c0_i32_0 = arith.constant 0 : i32
    %c0_i32_1 = arith.constant 0 : i32
    return %c0_i32, %c0_i32_0 : i32, i32
  }
  func.func @transform_6(%arg0: i32) -> (i32, i32) {
    %c0_i32 = arith.constant 0 : i32
    %c0_i32_0 = arith.constant 0 : i32
    %c0_i32_1 = arith.constant 0 : i32
    return %c0_i32, %c0_i32_0 : i32, i32
  }
}

module attributes {stable_mosaic.version = 14 : i64} {
  func.func @_finalize_body(%arg0: memref<800x256xf32, #tpu.memory_space<vmem>>, %arg1: memref<800x256xf32, #tpu.memory_space<vmem>>, %arg2: memref<800x1xi32, #tpu.memory_space<vmem>>, %arg3: memref<800x1xi32, #tpu.memory_space<vmem>>, %arg4: memref<2x73xf32, #tpu.memory_space<vmem>>, %arg5: memref<800x4xf32, #tpu.memory_space<vmem>>, %arg6: memref<800x1xf32, #tpu.memory_space<vmem>>) attributes {dimension_semantics = [], scalar_prefetch = 0 : i64, scratch_operands = 0 : i64, tpu.core_type = #tpu.core_type<tc>} {
    %get3A = arith.constant 0 : index
    %get3A_0 = arith.constant 0 : index
    %get3A_1 = vector.load %arg0[%get3A, %get3A_0] : memref<800x256xf32, #tpu.memory_space<vmem>>, vector<800x256xf32>
    %get3A_2 = arith.constant 0 : index
    %get3A_3 = arith.constant 0 : index
    %get3A_4 = vector.load %arg1[%get3A_2, %get3A_3] : memref<800x256xf32, #tpu.memory_space<vmem>>, vector<800x256xf32>
    %mul3A = arith.mulf %get3A_1, %get3A_4 : vector<800x256xf32>
    %reduce_sum3A = arith.constant dense<0.000000e+00> : vector<800xf32>
    %reduce_sum3A_5 = vector.multi_reduction <add>, %mul3A, %reduce_sum3A [1] : vector<800x256xf32> to vector<800xf32>
    %broadcast_in_dim3A = vector.shape_cast %reduce_sum3A_5 : vector<800xf32> to vector<800x1xf32>
    %mul3A_6 = arith.mulf %get3A_1, %get3A_1 : vector<800x256xf32>
    %reduce_sum3A_7 = arith.constant dense<0.000000e+00> : vector<800xf32>
    %reduce_sum3A_8 = vector.multi_reduction <add>, %mul3A_6, %reduce_sum3A_7 [1] : vector<800x256xf32> to vector<800xf32>
    %broadcast_in_dim3A_9 = vector.shape_cast %reduce_sum3A_8 : vector<800xf32> to vector<800x1xf32>
    %div3A = arith.divf %broadcast_in_dim3A, %broadcast_in_dim3A_9 : vector<800x1xf32>
    %swap3A = arith.constant 0 : index
    %swap3A_10 = arith.constant 0 : index
    %swap3A_11 = vector.load %arg6[%swap3A, %swap3A_10] : memref<800x1xf32, #tpu.memory_space<vmem>>, vector<800x1xf32>
    tpu.vector_store %arg6[%swap3A, %swap3A_10], %div3A {strides = array<i32>} : memref<800x1xf32, #tpu.memory_space<vmem>>, vector<800x1xf32>,
    %iota3A = tpu.iota {dimensions = array<i32: 1>} : vector<800x73xi32>
    %get3A_12 = arith.constant 0 : index
    %get3A_13 = arith.constant 0 : index
    %get3A_14 = vector.load %arg4[%get3A_12, %get3A_13] : memref<2x73xf32, #tpu.memory_space<vmem>>, vector<1x73xf32>
    %get3A_15 = arith.constant 1 : index
    %get3A_16 = arith.constant 0 : index
    %get3A_17 = vector.load %arg4[%get3A_15, %get3A_16] : memref<2x73xf32, #tpu.memory_space<vmem>>, vector<1x73xf32>
    %get3A_18 = arith.constant 0 : index
    %get3A_19 = arith.constant 0 : index
    %get3A_20 = vector.load %arg2[%get3A_18, %get3A_19] : memref<800x1xi32, #tpu.memory_space<vmem>>, vector<800x1xi32>
    %get3A_21 = arith.constant 0 : index
    %get3A_22 = arith.constant 0 : index
    %get3A_23 = vector.load %arg3[%get3A_21, %get3A_22] : memref<800x1xi32, #tpu.memory_space<vmem>>, vector<800x1xi32>
    %jit3A = arith.constant 73 : i32
    %div3A_24 = vector.broadcast %jit3A : i32 to vector<800x1xi32>
    %div3A_25 = arith.divsi %get3A_20, %div3A_24 : vector<800x1xi32>
    %sign3A = arith.constant 0 : i32
    %sign3A_26 = vector.broadcast %sign3A : i32 to vector<800x1xi32>
    %sign3A_27 = arith.cmpi sgt, %get3A_20, %sign3A_26 : vector<800x1xi32>
    %sign3A_28 = arith.extui %sign3A_27 : vector<800x1xi1> to vector<800x1xi32>
    %sign3A_29 = arith.constant 0 : i32
    %sign3A_30 = vector.broadcast %sign3A_29 : i32 to vector<800x1xi32>
    %sign3A_31 = arith.cmpi slt, %get3A_20, %sign3A_30 : vector<800x1xi32>
    %sign3A_32 = arith.extui %sign3A_31 : vector<800x1xi1> to vector<800x1xi32>
    %sign3A_33 = arith.subi %sign3A_28, %sign3A_32 : vector<800x1xi32>
    %sign3A_34 = arith.constant 0 : i32
    %sign3A_35 = arith.cmpi sgt, %jit3A, %sign3A_34 : i32
    %sign3A_36 = arith.extui %sign3A_35 : i1 to i32
    %sign3A_37 = arith.constant 0 : i32
    %sign3A_38 = arith.cmpi slt, %jit3A, %sign3A_37 : i32
    %sign3A_39 = arith.extui %sign3A_38 : i1 to i32
    %sign3A_40 = arith.subi %sign3A_36, %sign3A_39 : i32
    %ne3A = vector.broadcast %sign3A_40 : i32 to vector<800x1xi32>
    %ne3A_41 = arith.cmpi ne, %sign3A_33, %ne3A : vector<800x1xi32>
    %rem3A = vector.broadcast %jit3A : i32 to vector<800x1xi32>
    %rem3A_42 = arith.remsi %get3A_20, %rem3A : vector<800x1xi32>
    %ne3A_43 = arith.constant 0 : i32
    %ne3A_44 = vector.broadcast %ne3A_43 : i32 to vector<800x1xi32>
    %ne3A_45 = arith.cmpi ne, %rem3A_42, %ne3A_44 : vector<800x1xi32>
    %and3A = arith.andi %ne3A_41, %ne3A_45 : vector<800x1xi1>
    %sub3A = arith.constant 1 : i32
    %sub3A_46 = vector.broadcast %sub3A : i32 to vector<800x1xi32>
    %sub3A_47 = arith.subi %div3A_25, %sub3A_46 : vector<800x1xi32>
    %select_n3A = arith.select %and3A, %sub3A_47, %div3A_25 : vector<800x1xi1>, vector<800x1xi32>
    %eq3A = vector.broadcast %select_n3A : vector<800x1xi32> to vector<800x73xi32>
    %eq3A_48 = arith.cmpi eq, %iota3A, %eq3A : vector<800x73xi32>
    %jit3A_49 = arith.constant 0.000000e+00 : f32
    %broadcast_in_dim3A_50 = vector.shape_cast %get3A_14 : vector<1x73xf32> to vector<1x73xf32>
    %broadcast_in_dim3A_51 = vector.broadcast %broadcast_in_dim3A_50 : vector<1x73xf32> to vector<800x73xf32>
    %broadcast_in_dim3A_52 = vector.broadcast %jit3A_49 : f32 to vector<800x73xf32>
    %select_n3A_53 = arith.select %eq3A_48, %broadcast_in_dim3A_51, %broadcast_in_dim3A_52 : vector<800x73xi1>, vector<800x73xf32>
    %reduce_sum3A_54 = arith.constant dense<0.000000e+00> : vector<800xf32>
    %reduce_sum3A_55 = vector.multi_reduction <add>, %select_n3A_53, %reduce_sum3A_54 [1] : vector<800x73xf32> to vector<800xf32>
    %broadcast_in_dim3A_56 = vector.shape_cast %reduce_sum3A_55 : vector<800xf32> to vector<800x1xf32>
    %jit3A_57 = arith.constant 73 : i32
    %div3A_58 = vector.broadcast %jit3A_57 : i32 to vector<800x1xi32>
    %div3A_59 = arith.divsi %get3A_23, %div3A_58 : vector<800x1xi32>
    %sign3A_60 = arith.constant 0 : i32
    %sign3A_61 = vector.broadcast %sign3A_60 : i32 to vector<800x1xi32>
    %sign3A_62 = arith.cmpi sgt, %get3A_23, %sign3A_61 : vector<800x1xi32>
    %sign3A_63 = arith.extui %sign3A_62 : vector<800x1xi1> to vector<800x1xi32>
    %sign3A_64 = arith.constant 0 : i32
    %sign3A_65 = vector.broadcast %sign3A_64 : i32 to vector<800x1xi32>
    %sign3A_66 = arith.cmpi slt, %get3A_23, %sign3A_65 : vector<800x1xi32>
    %sign3A_67 = arith.extui %sign3A_66 : vector<800x1xi1> to vector<800x1xi32>
    %sign3A_68 = arith.subi %sign3A_63, %sign3A_67 : vector<800x1xi32>
    %sign3A_69 = arith.constant 0 : i32
    %sign3A_70 = arith.cmpi sgt, %jit3A_57, %sign3A_69 : i32
    %sign3A_71 = arith.extui %sign3A_70 : i1 to i32
    %sign3A_72 = arith.constant 0 : i32
    %sign3A_73 = arith.cmpi slt, %jit3A_57, %sign3A_72 : i32
    %sign3A_74 = arith.extui %sign3A_73 : i1 to i32
    %sign3A_75 = arith.subi %sign3A_71, %sign3A_74 : i32
    %ne3A_76 = vector.broadcast %sign3A_75 : i32 to vector<800x1xi32>
    %ne3A_77 = arith.cmpi ne, %sign3A_68, %ne3A_76 : vector<800x1xi32>
    %rem3A_78 = vector.broadcast %jit3A_57 : i32 to vector<800x1xi32>
    %rem3A_79 = arith.remsi %get3A_23, %rem3A_78 : vector<800x1xi32>
    %ne3A_80 = arith.constant 0 : i32
    %ne3A_81 = vector.broadcast %ne3A_80 : i32 to vector<800x1xi32>
    %ne3A_82 = arith.cmpi ne, %rem3A_79, %ne3A_81 : vector<800x1xi32>
    %and3A_83 = arith.andi %ne3A_77, %ne3A_82 : vector<800x1xi1>
    %sub3A_84 = arith.constant 1 : i32
    %sub3A_85 = vector.broadcast %sub3A_84 : i32 to vector<800x1xi32>
    %sub3A_86 = arith.subi %div3A_59, %sub3A_85 : vector<800x1xi32>
    %select_n3A_87 = arith.select %and3A_83, %sub3A_86, %div3A_59 : vector<800x1xi1>, vector<800x1xi32>
    %eq3A_88 = vector.broadcast %select_n3A_87 : vector<800x1xi32> to vector<800x73xi32>
    %eq3A_89 = arith.cmpi eq, %iota3A, %eq3A_88 : vector<800x73xi32>
    %jit3A_90 = arith.constant 0.000000e+00 : f32
    %broadcast_in_dim3A_91 = vector.shape_cast %get3A_14 : vector<1x73xf32> to vector<1x73xf32>
    %broadcast_in_dim3A_92 = vector.broadcast %broadcast_in_dim3A_91 : vector<1x73xf32> to vector<800x73xf32>
    %broadcast_in_dim3A_93 = vector.broadcast %jit3A_90 : f32 to vector<800x73xf32>
    %select_n3A_94 = arith.select %eq3A_89, %broadcast_in_dim3A_92, %broadcast_in_dim3A_93 : vector<800x73xi1>, vector<800x73xf32>
    %reduce_sum3A_95 = arith.constant dense<0.000000e+00> : vector<800xf32>
    %reduce_sum3A_96 = vector.multi_reduction <add>, %select_n3A_94, %reduce_sum3A_95 [1] : vector<800x73xf32> to vector<800xf32>
    %broadcast_in_dim3A_97 = vector.shape_cast %reduce_sum3A_96 : vector<800xf32> to vector<800x1xf32>
    %jit3A_98 = arith.constant 73 : i32
    %eq3A_99 = arith.constant 0 : i32
    %eq3A_100 = arith.cmpi eq, %jit3A_98, %eq3A_99 : i32
    %jit3A_101 = arith.constant 1 : i32
    %select_n3A_102 = arith.select %eq3A_100, %jit3A_101, %jit3A_98 : i32
    %rem3A_103 = vector.broadcast %select_n3A_102 : i32 to vector<800x1xi32>
    %rem3A_104 = arith.remsi %get3A_20, %rem3A_103 : vector<800x1xi32>
    %ne3A_105 = arith.constant 0 : i32
    %ne3A_106 = vector.broadcast %ne3A_105 : i32 to vector<800x1xi32>
    %ne3A_107 = arith.cmpi ne, %rem3A_104, %ne3A_106 : vector<800x1xi32>
    %lt3A = arith.constant 0 : i32
    %lt3A_108 = vector.broadcast %lt3A : i32 to vector<800x1xi32>
    %lt3A_109 = arith.cmpi slt, %rem3A_104, %lt3A_108 : vector<800x1xi32>
    %lt3A_110 = arith.constant 0 : i32
    %lt3A_111 = arith.cmpi slt, %select_n3A_102, %lt3A_110 : i32
    %ne3A_112 = vector.broadcast %lt3A_111 : i1 to vector<800x1xi1>
    %ne3A_113 = vector.broadcast %ne3A_112 : vector<800x1xi1> to vector<800x1xi1>
    %ne3A_114 = arith.xori %lt3A_109, %ne3A_113 : vector<800x1xi1>
    %and3A_115 = arith.andi %ne3A_114, %ne3A_107 : vector<800x1xi1>
    %add3A = vector.broadcast %select_n3A_102 : i32 to vector<800x1xi32>
    %add3A_116 = arith.addi %rem3A_104, %add3A : vector<800x1xi32>
    %select_n3A_117 = arith.select %and3A_115, %add3A_116, %rem3A_104 : vector<800x1xi1>, vector<800x1xi32>
    %eq3A_118 = vector.broadcast %select_n3A_117 : vector<800x1xi32> to vector<800x73xi32>
    %eq3A_119 = arith.cmpi eq, %iota3A, %eq3A_118 : vector<800x73xi32>
    %jit3A_120 = arith.constant 0.000000e+00 : f32
    %broadcast_in_dim3A_121 = vector.shape_cast %get3A_17 : vector<1x73xf32> to vector<1x73xf32>
    %broadcast_in_dim3A_122 = vector.broadcast %broadcast_in_dim3A_121 : vector<1x73xf32> to vector<800x73xf32>
    %broadcast_in_dim3A_123 = vector.broadcast %jit3A_120 : f32 to vector<800x73xf32>
    %select_n3A_124 = arith.select %eq3A_119, %broadcast_in_dim3A_122, %broadcast_in_dim3A_123 : vector<800x73xi1>, vector<800x73xf32>
    %reduce_sum3A_125 = arith.constant dense<0.000000e+00> : vector<800xf32>
    %reduce_sum3A_126 = vector.multi_reduction <add>, %select_n3A_124, %reduce_sum3A_125 [1] : vector<800x73xf32> to vector<800xf32>
    %broadcast_in_dim3A_127 = vector.shape_cast %reduce_sum3A_126 : vector<800xf32> to vector<800x1xf32>
    %jit3A_128 = arith.constant 73 : i32
    %eq3A_129 = arith.constant 0 : i32
    %eq3A_130 = arith.cmpi eq, %jit3A_128, %eq3A_129 : i32
    %jit3A_131 = arith.constant 1 : i32
    %select_n3A_132 = arith.select %eq3A_130, %jit3A_131, %jit3A_128 : i32
    %rem3A_133 = vector.broadcast %select_n3A_132 : i32 to vector<800x1xi32>
    %rem3A_134 = arith.remsi %get3A_23, %rem3A_133 : vector<800x1xi32>
    %ne3A_135 = arith.constant 0 : i32
    %ne3A_136 = vector.broadcast %ne3A_135 : i32 to vector<800x1xi32>
    %ne3A_137 = arith.cmpi ne, %rem3A_134, %ne3A_136 : vector<800x1xi32>
    %lt3A_138 = arith.constant 0 : i32
    %lt3A_139 = vector.broadcast %lt3A_138 : i32 to vector<800x1xi32>
    %lt3A_140 = arith.cmpi slt, %rem3A_134, %lt3A_139 : vector<800x1xi32>
    %lt3A_141 = arith.constant 0 : i32
    %lt3A_142 = arith.cmpi slt, %select_n3A_132, %lt3A_141 : i32
    %ne3A_143 = vector.broadcast %lt3A_142 : i1 to vector<800x1xi1>
    %ne3A_144 = vector.broadcast %ne3A_143 : vector<800x1xi1> to vector<800x1xi1>
    %ne3A_145 = arith.xori %lt3A_140, %ne3A_144 : vector<800x1xi1>
    %and3A_146 = arith.andi %ne3A_145, %ne3A_137 : vector<800x1xi1>
    %add3A_147 = vector.broadcast %select_n3A_132 : i32 to vector<800x1xi32>
    %add3A_148 = arith.addi %rem3A_134, %add3A_147 : vector<800x1xi32>
    %select_n3A_149 = arith.select %and3A_146, %add3A_148, %rem3A_134 : vector<800x1xi1>, vector<800x1xi32>
    %eq3A_150 = vector.broadcast %select_n3A_149 : vector<800x1xi32> to vector<800x73xi32>
    %eq3A_151 = arith.cmpi eq, %iota3A, %eq3A_150 : vector<800x73xi32>
    %jit3A_152 = arith.constant 0.000000e+00 : f32
    %broadcast_in_dim3A_153 = vector.shape_cast %get3A_17 : vector<1x73xf32> to vector<1x73xf32>
    %broadcast_in_dim3A_154 = vector.broadcast %broadcast_in_dim3A_153 : vector<1x73xf32> to vector<800x73xf32>
    %broadcast_in_dim3A_155 = vector.broadcast %jit3A_152 : f32 to vector<800x73xf32>
    %select_n3A_156 = arith.select %eq3A_151, %broadcast_in_dim3A_154, %broadcast_in_dim3A_155 : vector<800x73xi1>, vector<800x73xf32>
    %reduce_sum3A_157 = arith.constant dense<0.000000e+00> : vector<800xf32>
    %reduce_sum3A_158 = vector.multi_reduction <add>, %select_n3A_156, %reduce_sum3A_157 [1] : vector<800x73xf32> to vector<800xf32>
    %broadcast_in_dim3A_159 = vector.shape_cast %reduce_sum3A_158 : vector<800xf32> to vector<800x1xf32>
    %concatenate3A = tpu.concatenate %broadcast_in_dim3A_56, %broadcast_in_dim3A_97, %broadcast_in_dim3A_127, %broadcast_in_dim3A_159 in 1 : vector<800x1xf32>, vector<800x1xf32>, vector<800x1xf32>, vector<800x1xf32> -> vector<800x4xf32>
    %swap3A_160 = arith.constant 0 : index
    %swap3A_161 = arith.constant 0 : index
    %swap3A_162 = vector.load %arg5[%swap3A_160, %swap3A_161] : memref<800x4xf32, #tpu.memory_space<vmem>>, vector<800x4xf32>
    tpu.vector_store %arg5[%swap3A_160, %swap3A_161], %concatenate3A {strides = array<i32>} : memref<800x4xf32, #tpu.memory_space<vmem>>, vector<800x4xf32>,
    return
  }
}

</mosaic_0001>

<sc_bundles>
// kernel: kernel.10.cloned.1.call-start
scs
__scs_entry_jumppad:
0x0: {  	(pc) =	sbr.rel $0x88, $3  }
0x1: {  	(tag) =	ssettag $0x0;
	lr =	simm.s32 $0x1  }
0x2: {  	[smem:$0x3F9E] =	sst lr;
	_ =	strace $0xD0000000  }
0x3: {  	_ = 	snop  }
0x4: {  	_ = 	snop  }
0x5: {  	_ = 	snop  }
0x6: {  	_ = 	snop  }
0x7: {  	_ = 	snop  }
__scs_overlays_trampoline_lowered:
0x8: {  	[smem:$0x3FAD] =	sst s0  }
0x9: {  	[smem:$0x3FAE] =	sst s1  }
0xa: {  	[smem:$0x3FAF] =	sst s2  }
0xb: {  	[smem:$0x3FB0] =	sst s3  }
0xc: {  	[smem:$0x3FB1] =	sst s4  }
0xd: {  	[smem:$0x3FB2] =	sst s5  }
0xe: {  	[smem:$0x3FB3] =	sst s6  }
0xf: {  	[smem:$0x3FB4] =	sst s7  }
0x10: {  	[smem:$0x3FB5] =	sst s8  }
0x11: {  	[smem:$0x3FB6] =	sst s9;
	s0 =	simm.s32 @!p0 $0x0  }
0x12: {  	s1 =	sld [smem:$0x3F9C];
	s0 =	simm.s32 @p0 $0x1  }
0x13: {  	[smem:$0x3FB7] =	sst s0;
	s0 =	simm.s32 @!p1 $0x0  }
0x14: {  	s2 =	sld [smem:$0x3F9B];
	s0 =	simm.s32 @p1 $0x1  }
0x15: {  	[smem:$0x3FB8] =	sst s0;
	s0 =	simm.s32 @!p2 $0x0  }
0x16: {  	s3 =	sld [smem:$0x3FDB];
	s0 =	simm.s32 @p2 $0x1  }
0x17: {  	s4 =	simm.s32 $0x1BF5;
	[smem:$0x3FBA] =	sst s0  }
0x18: {  	s0 =	sld [smem:$0x3F9D];
	_ =	swait.ge [sflag:s4], $0x0  }
0x19: {  	s7 =	sld [smem:$0x3F9E]  }
0x1a: {  	s8 =	sadd.s32 $0xFFFFE003, lr  }
0x1b: {  	s9 =	sadd.s32 $0xFFFFFEF7, lr;
	s5 =	simm.s32 $0xFFFFFFFF;
	p2 =	slt.u32 s8, $0xFFFFF086  }
0x1c: {  	p1 =	slt.u32 s9, $0xF7A;
	s5 =	simm.s32 @!p2 $0x0  }
0x1d: {  	s5 =	simm.s32 @p1 $0x1;
	p0 =	seq.s32 s7, s2  }
0x1e: {  	s7 =	smul.u32 @!p0 $0xF7A, s2;
	p2 =	seq.s32 @!p0 s5, $0x0  }
0x1f: {  	s9 =	smul.u32 $0xF7A, s1;
	s8 =	simm.s32 @!p0 $0x1BF5;
	p2 =	por !p2, p0  }
0x20: {  	[sflag:s8] =	ssyncset.s32 @!p0 $0xFFFFF086;
	s6 =	sadd.s32 @!p0 s3, s7;
	s7 =	simm.s32 @!p0 $0x108  }
0x21: {  	s3 =	sadd.s32 s3, s9;
	s6 =	sadd.s32 @!p0 $0x88, s6;
	s7 =	simm.s32 @p2 $0x1082  }
0x22: {  	[simem:s7], [sflag:s8] =	dma.local @!p0 [hbm:s6], $0xF7A  }
0x23: {  	s9 =	sor.u32 $0xD0000000, s2;
	s6 =	simm.s32 $0x108;
	_ =	swait.ge @!p0 [sflag:s8], $0x0  }
0x24: {  	s3 =	sadd.s32 $0x88, s3;
	s6 =	simm.s32 @!p1 $0x1082;
	[sflag:s4] =	ssyncset.s32 $0xFFFFF086  }
0x25: {  	[simem:s6], [sflag:s4] =	dma.local [hbm:s3], $0xF7A  }
0x26: {  	[smem:$0x3F9E] =	sst s1;
	(tag) =	ssettag s2;
	_ =	strace s9  }
0x27: {  	s1 =	sld [smem:$0x3FAE]  }
0x28: {  	s2 =	sld [smem:$0x3FAF]  }
0x29: {  	s4 =	sld [smem:$0x3FB1]  }
0x2a: {  	p0 =	seq.s32 s5, $0x0;
	s5 =	sld [smem:$0x3FB2]  }
0x2b: {  	s6 =	sld [smem:$0x3FB3]  }
0x2c: {  	s7 =	sld [smem:$0x3FB4]  }
0x2d: {  	s3 =	simm.s32 $0x108;
	s8 =	sld [smem:$0x3FB5]  }
0x2e: {  	s3 =	simm.s32 @!p0 $0x1082;
	s9 =	sld [smem:$0x3FB6]  }
0x2f: {  	lr =	sadd.s32 s0, s3;
	s0 =	sld [smem:$0x3FAD]  }
0x30: {  	s3 =	sld [smem:$0x3FB0]  }
0x31: {  	[smem:$0x3FB9] =	sst s10  }
0x32: {  	s10 =	sld [smem:$0x3FB7];
	_ =	sdelay $0x3  }
0x33: {  	p0 =	seq.s32 s10, $0x1;
	s10 =	sld [smem:$0x3FB9];
	_ =	sdelay $0x3  }
0x34: {  	[smem:$0x3FB9] =	sst s10  }
0x35: {  	s10 =	sld [smem:$0x3FB8];
	_ =	sdelay $0x3  }
0x36: {  	p1 =	seq.s32 s10, $0x1;
	s10 =	sld [smem:$0x3FB9];
	_ =	sdelay $0x3  }
0x37: {  	[smem:$0x3FB9] =	sst s10  }
0x38: {  	s10 =	sld [smem:$0x3FBA]  }
0x39: {  	_ = 	snop;
	(pc) =	sbr.ind lr, $3  }
0x3a: {  	_ = 	snop  }
0x3b: {  	_ = 	snop  }
0x3c: {  	p2 =	seq.s32 s10, $0x1;
	s10 =	sld [smem:$0x3FB9]  }
0x3d: {  	_ =	shalt  }
0x3e: {  	_ =	shalt  }
0x3f: {  	_ =	shalt  }
0x40: {  	_ =	shalt  }
0x41: {  	_ =	shalt  }
0x42: {  	_ =	shalt  }
0x43: {  	_ =	shalt  }
0x44: {  	_ =	shalt  }
0x45: {  	_ =	shalt  }
0x46: {  	_ =	shalt  }
0x47: {  	_ =	shalt  }
0x48: {  	_ =	shalt  }
0x49: {  	_ =	shalt  }
0x4a: {  	_ =	shalt  }
0x4b: {  	_ =	shalt  }
0x4c: {  	_ =	shalt  }
0x4d: {  	_ =	shalt  }
0x4e: {  	_ =	shalt  }
0x4f: {  	_ =	shalt  }
0x50: {  	_ =	shalt  }
0x51: {  	_ =	shalt  }
0x52: {  	_ =	shalt  }
0x53: {  	_ =	shalt  }
0x54: {  	_ =	shalt  }
0x55: {  	_ =	shalt  }
0x56: {  	_ =	shalt  }
0x57: {  	_ =	shalt  }
0x58: {  	_ =	shalt  }
0x59: {  	_ =	shalt  }
0x5a: {  	_ =	shalt  }
0x5b: {  	_ =	shalt  }
0x5c: {  	_ =	shalt  }
0x5d: {  	_ =	shalt  }
0x5e: {  	_ =	shalt  }
0x5f: {  	_ =	shalt  }
0x60: {  	_ =	shalt  }
0x61: {  	_ =	shalt  }
0x62: {  	_ =	shalt  }
0x63: {  	_ =	shalt  }
0x64: {  	_ =	shalt  }
0x65: {  	_ =	shalt  }
0x66: {  	_ =	shalt  }
0x67: {  	_ =	shalt  }
0x68: {  	_ =	shalt  }
0x69: {  	_ =	shalt  }
0x6a: {  	_ =	shalt  }
0x6b: {  	_ =	shalt  }
0x6c: {  	_ =	shalt  }
0x6d: {  	_ =	shalt  }
0x6e: {  	_ =	shalt  }
0x6f: {  	_ =	shalt  }
0x70: {  	_ =	shalt  }
0x71: {  	_ =	shalt  }
0x72: {  	_ =	shalt  }
0x73: {  	_ =	shalt  }
0x74: {  	_ =	shalt  }
0x75: {  	_ =	shalt  }
0x76: {  	_ =	shalt  }
0x77: {  	_ =	shalt  }
0x78: {  	_ =	shalt  }
0x79: {  	_ =	shalt  }
0x7a: {  	_ =	shalt  }
0x7b: {  	_ =	shalt  }
0x7c: {  	_ =	shalt  }
0x7d: {  	_ =	shalt  }
0x7e: {  	_ =	shalt  }
0x7f: {  	_ =	shalt  }
0x80: {  	_ =	shalt  }
0x81: {  	_ =	shalt  }
0x82: {  	_ =	shalt  }
0x83: {  	_ =	shalt  }
0x84: {  	_ =	shalt  }
0x85: {  	_ =	shalt  }
0x86: {  	_ =	shalt  }
0x87: {  	_ =	shalt  }
.Lfunc_end0:
.L_simem_size_0:
called_computation.1_lowered:
.L_overlay_start_0:
0x88: {  	s2 =	sld [smem:$0x3FD9]  }
0x89: {  	s3 =	sld [smem:$0x3FFE];
	_ =	sdelay $0x1  }
0x8a: {  	s1 =	srdreg.scid  }
0x8b: {  	s0 =	sand.u32 $0x1, s1  }
0x8c: {  	s14 =	sshll.u32 s0, $0xA;
	s2 =	sadd.s32 s3, s2  }
0x8d: {  	s2 =	sadd.s32 s2, s14  }
0x8e: {  	[smem:$0x3FC5] =	sst s2  }
0x8f: {  	_ = 	snop  }
0x90: {  	s2 =	sld [smem:$0x3FD0];
	_ =	sdelay $0x2  }
0x91: {  	s15 =	simm.s32 $0xA;
	s4 =	simm.s32 $0x10  }
0x92: {  	[smem:s4], [sflag:s15] =	dma.local [hbm:s2], $0x1  }
0x93: {  	_ =	swait.eq [sflag:s15], $0x1  }
0x94: {  	[sflag:s15] =	ssyncset.done $0x0  }
0x95: {  	[sflag:s15] =	ssyncadd.s32 $0xFFFFFFFF  }
0x96: {  	s16 =	sld [smem:$0x11];
	(tm) =	ssettm $0x1  }
0x97: {  	s17 =	sld [smem:$0x3FFB];
	_ =	sdelay $0x3  }
0x98: {  	_ =	strace s17  }
0x99: {  	s3 =	sld [smem:$0x3FFC];
	_ =	sdelay $0x3  }
0x9a: {  	_ =	strace s3  }
0x9b: {  	s3 =	sld [smem:$0x3FFD];
	_ =	sdelay $0x3  }
0x9c: {  	_ =	strace s3  }
0x9d: {  	_ =	strace $0x8FFFFFFF  }
0x9e: {  	s18 =	sld [smem:$0x3FDB];
	_ =	sdelay $0x1  }
0x9f: {  	s19 =	simm.s32 $_scs_section_size  }
0xa0: {  	s5 =	simm.s32 $_size__tile_overlayer_lowered;
	s6 =	simm.s32 $_tile_overlayer_lowered  }
0xa1: {  	s22 =	simm.s32 $0x1BFF;
	s21 =	sshll.u32 s6, $0x1;
	s3 =	sadd.s32 s19, s18  }
0xa2: {  	s7 =	simm.s32 $0x0;
	s20 =	sshll.u32 s5, $0x1;
	s5 =	sadd.s32 s21, s3  }
0xa3: {  	[timem:s7], [sflag:s22] =	dma.local [hbm:s5], s20  }
0xa4: {  	_ =	swait.ge [sflag:s22], s20  }
0xa5: {  	s4 =	ssub.s32 $0x0, s20;
	[sflag:s22] =	ssyncset.done $0x0  }
0xa6: {  	[sflag:s22] =	ssyncadd.s32 s4;
	_ =	sdelay $0x1  }
0xa7: {  	s23 =	simm.s32 $0x1B8B  }
0xa8: {  	_ =	swait.ge [sflag:s23], $0x1  }
0xa9: {  	[sflag:s23] =	ssyncset.done $0x0  }
0xaa: {  	s25 =	simm.s32 $0x1B8E;
	s24 =	sld [smem:$0x3FFE];
	[sflag:s23] =	ssyncadd.s32 $0xFFFFFFFF  }
0xab: {  	s26 =	simm.s32 $execute0_lowered;
	[smem:$0x3FD2] =	sst s25  }
0xac: {  	s5 =	sshll.u32 s26, $0x1;
	_ =	strace $0x80000049;
	[dreg:$0x1] =	wrdreg $0xFFFFFFFF  }
0xad: {  	s28 =	simm.s32 $_size_execute0_lowered;
	s3 =	sadd.s32 s3, s5;
	[dreg:$0x0] =	wrdreg $0x0  }
0xae: {  	s5 =	sshll.u32 s28, $0x1;
	[dreg:$0x2] =	wrdreg s3  }
0xaf: {  	[dreg:$0x3] =	wrdreg s5  }
0xb0: {  	[dreg:$0x4] =	wrdreg $0xC0  }
0xb1: {  	_ =	task [dreg:s7], $0x5FFFF  }
0xb2: {  	[dreg:$0x1] =	wrdreg $0xFFFFFFFF  }
0xb3: {  	[dreg:$0x0] =	wrdreg $0x60  }
0xb4: {  	[dreg:$0x2] =	wrdreg s24  }
0xb5: {  	[dreg:$0x3] =	wrdreg s16  }
0xb6: {  	[dreg:$0x4] =	wrdreg $0x9  }
0xb7: {  	_ =	task.clear_ibuf [dreg:s7], $0x5FFFF;
	_ =	strace $0x90000049  }
0xb8: {  	s29 =	simm.s32 $0x9;
	_ =	strace $0x8000004B  }
0xb9: {  	_ =	swait.ge [sflag:s29], $0x1  }
0xba: {  	[sflag:s29] =	ssyncadd.s32 $0xFFFFFFFF  }
0xbb: {  	_ =	strace $0x9000004B  }
0xbc: {  	_ =	sfence  }
0xbd: {  	s30 =	sld [smem:$0x0];
	_ =	sdelay $0x2  }
0xbe: {  	s31 =	sshll.u32 s1, $0xD;
	s1 =	sshrl.u32 s1, $0x2  }
0xbf: {  	s3 =	sand.u32 $0x4000, s31;
	s1 =	sadd.s32 s1, s30  }
0xc0: {  	s0 =	sor.u32 s3, s0;
	s1 =	sshll.u32 s1, $0x11  }
0xc1: {  	s0 =	sor.u32 s1, s0  }
0xc2: {  	s0 =	sadd.s32 $0x8F2B, s0  }
0xc3: {  	[sflag:s0] =	ssyncadd.remote.s32 $0x1  }
0xc4: {  	_ =	sfence.sel $0xFFFF  }
0xc5: {  	[dreg:$0x0] =	wrdreg $0xFFFFFFFF;
	(pc) =	sbr.abs _section_cstart, $3  }
0xc6: {  	[dreg:$0x1] =	wrdreg $0xFFFFFFFF  }
0xc7: {  	_ =	task.clear_ibuf [dreg:s7], $0x2FFFF;
	_ =	strace $0x9FFFFFFF  }
0xc8: {  	(tm) =	ssettm $0x7FFFFFFF  }
0xc9: {  	_ =	shalt  }
tec
execute0_lowered:
.L_overlay_start_1:
0x0: {  	(tag) =	ssettag $0x1  }
0x1: {  	s4 =	rddreg [dreg:$0x0]  }
0x2: {  	s5 =	rddreg [dreg:$0x1]  }
0x3: {  	s0 =	rddreg [dreg:$0x2];
	s3 =	srdreg.scid  }
0x4: {  	s2 =	simm.s32 $0x0;
	s1 =	stileid.u32;
	s10 =	simm.s32 $0x1080  }
0x5: {  	s11 =	simm.s32 $0x1880;
	s12 =	simm.s32 $0x1;
	s3 =	sand.u32 $0x1, s3  }
0x6: {  	[smem:$0x7FF] =	sst s2;
	s6 =	sshll.u32 s1, $0x6;
	s7 =	sshll.u32 s3, $0x5  }
0x7: {  	_ =	strace $0x8000004A;
	s30 =	ssub.s32 $0x2, s3;
	s6 =	sor.u32 s7, s6  }
0x8: {  	s3 =	sadd.s32 $0xA00, s4;
	s9 =	sshrl.u32 s30, $0x1;
	s8 =	sshll.u32 s6, $0x5  }
0x9: {  	v2 =	vlaneseq.u32;
	s7 =	ssub.s32 s30, s9;
	s31 =	sshrl.u32 s6, $0x3;
	s9 =	simm.s32 $0x880  }
0xa: {  	vm0 =	vmmov $0xffff;
	v1 =	vshrl.u32 v2, $0x3;
	s8 =	sadd.s32 s8, s4;
	s4 =	sadd.s32 s5, s31;
	s6 =	smax.u32 s7, $0x1  }
0xb: {  	v0 =	vand.u32 $0x7, v2;
	v2 =	vor.u32 $0x8, v2;
	v1 =	vmul.u32 $0x8, v1;
	s7 =	simm.s32 $0x2;
	s5 =	sadd.s32 $0x2A600, s8;
	s8 =	simm.s32 $0x80  }
.LBB2_1:
0xc: {  	[tilespmem:s2], [sflag:$0x2] =	stream.linear.gather [hbm4b:s4+s2], $0x20, $0x38;
	[tilespmem:$0x2080] =	vst v63  }
0xd: {  	_ =	swait.ge [sflag:s7], $0x20  }
0xe: {  	[sflag:s7] =	ssyncset.done $0x0  }
0xf: {  	[sflag:s7] =	ssyncadd.s32 $0xFFFFFFE0  }
0x10: {  	v3 =	vld [tilespmem:$0x0];
	_ =	sdelay $0x4  }
0x11: {  	v4 =	vshll.u32 v3, $0x1  }
0x12: {  	v3 =	vand.u32 $0x7, v3;
	v4 =	vand.u32 $0xFFFFFFF0, v4  }
0x13: {  	v3 =	vor.u32 v3, v4  }
0x14: {  	v4 =	vperm.xlane v3, v0;
	_ =	sdelay $0x1  }
0x15: {  	v3 =	vperm.xlane v3, v2;
	v4 =	vadd.s32 v1, v4;
	_ =	sdelay $0x1  }
0x16: {  	v3 =	vadd.s32 v1, v3;
	_ =	sdelay $0x2  }
0x17: {  	[tilespmem:s8], [sflag:$0x1] =	stream.indirect_vreg.gather [hbm4b:s3+s2], $0x80, v4, vm0, $0xb8;
	[tilespmem:$0x2080] =	vst v63  }
0x18: {  	_ = 	snop  }
0x19: {  	[tilespmem:s9], [sflag:$0x1] =	stream.indirect_vreg.gather [hbm4b:s3+s2], $0x80, v3, vm0, $0xb8;
	[tilespmem:$0x2080] =	vst v63  }
0x1a: {  	v3 =	vld [tilespmem:$0x10];
	_ =	sdelay $0x4  }
0x1b: {  	v63 =	vshll.u32 v3, $0x1  }
0x1c: {  	v3 =	vand.u32 $0x7, v3;
	v4 =	vand.u32 $0xFFFFFFF0, v63  }
0x1d: {  	v3 =	vor.u32 v3, v4  }
0x1e: {  	v4 =	vperm.xlane v3, v0;
	_ =	sdelay $0x1  }
0x1f: {  	v3 =	vperm.xlane v3, v2;
	v4 =	vadd.s32 v1, v4;
	_ =	sdelay $0x1  }
0x20: {  	v3 =	vadd.s32 v1, v3;
	_ =	sdelay $0x2  }
0x21: {  	[tilespmem:s10], [sflag:$0x1] =	stream.indirect_vreg.gather [hbm4b:s3+s2], $0x80, v4, vm0, $0xb8;
	[tilespmem:$0x2080] =	vst v63  }
0x22: {  	_ = 	snop  }
0x23: {  	[tilespmem:s11], [sflag:$0x1] =	stream.indirect_vreg.gather [hbm4b:s3+s2], $0x80, v3, vm0, $0xb8;
	[tilespmem:$0x2080] =	vst v63  }
0x24: {  	_ =	swait.ge [sflag:s12], $0x2000  }
0x25: {  	p0 =	sne.s32 s6, $0x1;
	[sflag:s12] =	ssyncset.done $0x0  }
.Ltmp0:
0x26: {  	[sflag:s12] =	ssyncadd.s32 $0xFFFFE000;
	(pc) =	sbr.rel @p0 .LBB2_1-.Ltmp0, $4  }
0x27: {  	[hbm4b:s5+s2] =	stream.linear.scatter [tilespmem:s8], [sflag:$0x2], $0x2000, $0x38;
	[tilespmem:$0x2080] =	vst v63  }
0x28: {  	_ =	swait.ge [sflag:s7], $0x2000  }
0x29: {  	[sflag:s7] =	ssyncset.done $0x0  }
0x2a: {  	s6 =	sadd.s32 $0xFFFFFFFF, s6;
	[sflag:s7] =	ssyncadd.s32 $0xFFFFE000  }
0x2b: {  	_ =	sfence.sel $0x180000  }
0x2c: {  	[bflag:$0x0] =	sbarrier.arrive $0xFFFF  }
0x2d: {  	p0 =	sne.s32 s1, $0x0;
	_ =	strace $0x9000004A  }
0x2e: {  	s0 =	sadd.s32 @!p0 $0x100000, s0;
	[bflag:$0x2] =	sbarrier.arrive $0xFFFF  }
0x2f: {  	[sflag:s0] =	ssyncadd.tile.s32 @!p0 $0x1;
	_ =	shalt  }
.Lfunc_end2:
_tile_overlayer_lowered:
.L_overlay_start_2:
0x30: {  	(tag) =	ssettag $0x2  }
0x31: {  	s0 =	rddreg [dreg:$0x0];
	s2 =	stileid.u32  }
0x32: {  	s1 =	rddreg [dreg:$0x1];
	p0 =	sne.s32 s2, $0x0  }
0x33: {  	s3 =	rddreg [dreg:$0x2];
	[bflag:$0x3] =	sbarrier.arrive $0xFFFF;
	s2 =	simm.s32 @!p0 $0x1C02  }
0x34: {  	[timem:s3], [sflag:s2] =	dma.local @!p0 [hbm:s0], s1  }
0x35: {  	s0 =	simm.s32 @!p0 $0x2  }
0x36: {  	_ =	swait.ge @!p0 [sflag:s0], s1  }
0x37: {  	s1 =	ssub.s32 @!p0 $0x0, s1;
	[sflag:s0] =	ssyncset.done @!p0 $0x0  }
0x38: {  	[sflag:s0] =	ssyncadd.s32 @!p0 s1  }
0x39: {  	[bflag:$0x3] =	sbarrier.arrive $0xFFFF  }
0x3a: {  	_ =	shalt  }

// kernel: kernel.7.cloned.1.call-start
scs
__scs_entry_jumppad:
0x0: {  	(pc) =	sbr.rel $0x88, $3  }
0x1: {  	(tag) =	ssettag $0x0;
	lr =	simm.s32 $0x1  }
0x2: {  	[smem:$0x3F9E] =	sst lr;
	_ =	strace $0xD0000000  }
0x3: {  	_ = 	snop  }
0x4: {  	_ = 	snop  }
0x5: {  	_ = 	snop  }
0x6: {  	_ = 	snop  }
0x7: {  	_ = 	snop  }
__scs_overlays_trampoline_lowered:
0x8: {  	[smem:$0x3FAD] =	sst s0  }
0x9: {  	[smem:$0x3FAE] =	sst s1  }
0xa: {  	[smem:$0x3FAF] =	sst s2  }
0xb: {  	[smem:$0x3FB0] =	sst s3  }
0xc: {  	[smem:$0x3FB1] =	sst s4  }
0xd: {  	[smem:$0x3FB2] =	sst s5  }
0xe: {  	[smem:$0x3FB3] =	sst s6  }
0xf: {  	[smem:$0x3FB4] =	sst s7  }
0x10: {  	[smem:$0x3FB5] =	sst s8  }
0x11: {  	[smem:$0x3FB6] =	sst s9;
	s0 =	simm.s32 @!p0 $0x0  }
0x12: {  	s1 =	sld [smem:$0x3F9C];
	s0 =	simm.s32 @p0 $0x1  }
0x13: {  	[smem:$0x3FB7] =	sst s0;
	s0 =	simm.s32 @!p1 $0x0  }
0x14: {  	s2 =	sld [smem:$0x3F9B];
	s0 =	simm.s32 @p1 $0x1  }
0x15: {  	[smem:$0x3FB8] =	sst s0;
	s0 =	simm.s32 @!p2 $0x0  }
0x16: {  	s3 =	sld [smem:$0x3FDB];
	s0 =	simm.s32 @p2 $0x1  }
0x17: {  	s4 =	simm.s32 $0x1BF5;
	[smem:$0x3FBA] =	sst s0  }
0x18: {  	s0 =	sld [smem:$0x3F9D];
	_ =	swait.ge [sflag:s4], $0x0  }
0x19: {  	s7 =	sld [smem:$0x3F9E]  }
0x1a: {  	s8 =	sadd.s32 $0xFFFFE003, lr  }
0x1b: {  	s9 =	sadd.s32 $0xFFFFFEF7, lr;
	s5 =	simm.s32 $0xFFFFFFFF;
	p2 =	slt.u32 s8, $0xFFFFF086  }
0x1c: {  	p1 =	slt.u32 s9, $0xF7A;
	s5 =	simm.s32 @!p2 $0x0  }
0x1d: {  	s5 =	simm.s32 @p1 $0x1;
	p0 =	seq.s32 s7, s2  }
0x1e: {  	s7 =	smul.u32 @!p0 $0xF7A, s2;
	p2 =	seq.s32 @!p0 s5, $0x0  }
0x1f: {  	s9 =	smul.u32 $0xF7A, s1;
	s8 =	simm.s32 @!p0 $0x1BF5;
	p2 =	por !p2, p0  }
0x20: {  	[sflag:s8] =	ssyncset.s32 @!p0 $0xFFFFF086;
	s6 =	sadd.s32 @!p0 s3, s7;
	s7 =	simm.s32 @!p0 $0x108  }
0x21: {  	s3 =	sadd.s32 s3, s9;
	s6 =	sadd.s32 @!p0 $0x88, s6;
	s7 =	simm.s32 @p2 $0x1082  }
0x22: {  	[simem:s7], [sflag:s8] =	dma.local @!p0 [hbm:s6], $0xF7A  }
0x23: {  	s9 =	sor.u32 $0xD0000000, s2;
	s6 =	simm.s32 $0x108;
	_ =	swait.ge @!p0 [sflag:s8], $0x0  }
0x24: {  	s3 =	sadd.s32 $0x88, s3;
	s6 =	simm.s32 @!p1 $0x1082;
	[sflag:s4] =	ssyncset.s32 $0xFFFFF086  }
0x25: {  	[simem:s6], [sflag:s4] =	dma.local [hbm:s3], $0xF7A  }
0x26: {  	[smem:$0x3F9E] =	sst s1;
	(tag) =	ssettag s2;
	_ =	strace s9  }
0x27: {  	s1 =	sld [smem:$0x3FAE]  }
0x28: {  	s2 =	sld [smem:$0x3FAF]  }
0x29: {  	s4 =	sld [smem:$0x3FB1]  }
0x2a: {  	p0 =	seq.s32 s5, $0x0;
	s5 =	sld [smem:$0x3FB2]  }
0x2b: {  	s6 =	sld [smem:$0x3FB3]  }
0x2c: {  	s7 =	sld [smem:$0x3FB4]  }
0x2d: {  	s3 =	simm.s32 $0x108;
	s8 =	sld [smem:$0x3FB5]  }
0x2e: {  	s3 =	simm.s32 @!p0 $0x1082;
	s9 =	sld [smem:$0x3FB6]  }
0x2f: {  	lr =	sadd.s32 s0, s3;
	s0 =	sld [smem:$0x3FAD]  }
0x30: {  	s3 =	sld [smem:$0x3FB0]  }
0x31: {  	[smem:$0x3FB9] =	sst s10  }
0x32: {  	s10 =	sld [smem:$0x3FB7];
	_ =	sdelay $0x3  }
0x33: {  	p0 =	seq.s32 s10, $0x1;
	s10 =	sld [smem:$0x3FB9];
	_ =	sdelay $0x3  }
0x34: {  	[smem:$0x3FB9] =	sst s10  }
0x35: {  	s10 =	sld [smem:$0x3FB8];
	_ =	sdelay $0x3  }
0x36: {  	p1 =	seq.s32 s10, $0x1;
	s10 =	sld [smem:$0x3FB9];
	_ =	sdelay $0x3  }
0x37: {  	[smem:$0x3FB9] =	sst s10  }
0x38: {  	s10 =	sld [smem:$0x3FBA]  }
0x39: {  	_ = 	snop;
	(pc) =	sbr.ind lr, $3  }
0x3a: {  	_ = 	snop  }
0x3b: {  	_ = 	snop  }
0x3c: {  	p2 =	seq.s32 s10, $0x1;
	s10 =	sld [smem:$0x3FB9]  }
0x3d: {  	_ =	shalt  }
0x3e: {  	_ =	shalt  }
0x3f: {  	_ =	shalt  }
0x40: {  	_ =	shalt  }
0x41: {  	_ =	shalt  }
0x42: {  	_ =	shalt  }
0x43: {  	_ =	shalt  }
0x44: {  	_ =	shalt  }
0x45: {  	_ =	shalt  }
0x46: {  	_ =	shalt  }
0x47: {  	_ =	shalt  }
0x48: {  	_ =	shalt  }
0x49: {  	_ =	shalt  }
0x4a: {  	_ =	shalt  }
0x4b: {  	_ =	shalt  }
0x4c: {  	_ =	shalt  }
0x4d: {  	_ =	shalt  }
0x4e: {  	_ =	shalt  }
0x4f: {  	_ =	shalt  }
0x50: {  	_ =	shalt  }
0x51: {  	_ =	shalt  }
0x52: {  	_ =	shalt  }
0x53: {  	_ =	shalt  }
0x54: {  	_ =	shalt  }
0x55: {  	_ =	shalt  }
0x56: {  	_ =	shalt  }
0x57: {  	_ =	shalt  }
0x58: {  	_ =	shalt  }
0x59: {  	_ =	shalt  }
0x5a: {  	_ =	shalt  }
0x5b: {  	_ =	shalt  }
0x5c: {  	_ =	shalt  }
0x5d: {  	_ =	shalt  }
0x5e: {  	_ =	shalt  }
0x5f: {  	_ =	shalt  }
0x60: {  	_ =	shalt  }
0x61: {  	_ =	shalt  }
0x62: {  	_ =	shalt  }
0x63: {  	_ =	shalt  }
0x64: {  	_ =	shalt  }
0x65: {  	_ =	shalt  }
0x66: {  	_ =	shalt  }
0x67: {  	_ =	shalt  }
0x68: {  	_ =	shalt  }
0x69: {  	_ =	shalt  }
0x6a: {  	_ =	shalt  }
0x6b: {  	_ =	shalt  }
0x6c: {  	_ =	shalt  }
0x6d: {  	_ =	shalt  }
0x6e: {  	_ =	shalt  }
0x6f: {  	_ =	shalt  }
0x70: {  	_ =	shalt  }
0x71: {  	_ =	shalt  }
0x72: {  	_ =	shalt  }
0x73: {  	_ =	shalt  }
0x74: {  	_ =	shalt  }
0x75: {  	_ =	shalt  }
0x76: {  	_ =	shalt  }
0x77: {  	_ =	shalt  }
0x78: {  	_ =	shalt  }
0x79: {  	_ =	shalt  }
0x7a: {  	_ =	shalt  }
0x7b: {  	_ =	shalt  }
0x7c: {  	_ =	shalt  }
0x7d: {  	_ =	shalt  }
0x7e: {  	_ =	shalt  }
0x7f: {  	_ =	shalt  }
0x80: {  	_ =	shalt  }
0x81: {  	_ =	shalt  }
0x82: {  	_ =	shalt  }
0x83: {  	_ =	shalt  }
0x84: {  	_ =	shalt  }
0x85: {  	_ =	shalt  }
0x86: {  	_ =	shalt  }
0x87: {  	_ =	shalt  }
.Lfunc_end0:
.L_simem_size_0:
called_computation_lowered:
.L_overlay_start_0:
0x88: {  	s2 =	sld [smem:$0x3FD9]  }
0x89: {  	s3 =	sld [smem:$0x3FFE];
	_ =	sdelay $0x1  }
0x8a: {  	s1 =	srdreg.scid  }
0x8b: {  	s0 =	sand.u32 $0x1, s1  }
0x8c: {  	s14 =	sshll.u32 s0, $0xA;
	s2 =	sadd.s32 s3, s2  }
0x8d: {  	s2 =	sadd.s32 s2, s14  }
0x8e: {  	[smem:$0x3FC5] =	sst s2  }
0x8f: {  	_ = 	snop  }
0x90: {  	s2 =	sld [smem:$0x3FD0];
	_ =	sdelay $0x2  }
0x91: {  	s15 =	simm.s32 $0xA;
	s4 =	simm.s32 $0x10  }
0x92: {  	[smem:s4], [sflag:s15] =	dma.local [hbm:s2], $0x1  }
0x93: {  	_ =	swait.eq [sflag:s15], $0x1  }
0x94: {  	[sflag:s15] =	ssyncset.done $0x0  }
0x95: {  	[sflag:s15] =	ssyncadd.s32 $0xFFFFFFFF  }
0x96: {  	s16 =	sld [smem:$0x11];
	(tm) =	ssettm $0x1  }
0x97: {  	s17 =	sld [smem:$0x3FFB];
	_ =	sdelay $0x3  }
0x98: {  	_ =	strace s17  }
0x99: {  	s3 =	sld [smem:$0x3FFC];
	_ =	sdelay $0x3  }
0x9a: {  	_ =	strace s3  }
0x9b: {  	s3 =	sld [smem:$0x3FFD];
	_ =	sdelay $0x3  }
0x9c: {  	_ =	strace s3  }
0x9d: {  	_ =	strace $0x8FFFFFFF  }
0x9e: {  	s18 =	sld [smem:$0x3FDB];
	_ =	sdelay $0x1  }
0x9f: {  	s19 =	simm.s32 $_scs_section_size  }
0xa0: {  	s5 =	simm.s32 $_size__tile_overlayer_lowered;
	s6 =	simm.s32 $_tile_overlayer_lowered  }
0xa1: {  	s22 =	simm.s32 $0x1BFF;
	s21 =	sshll.u32 s6, $0x1;
	s3 =	sadd.s32 s19, s18  }
0xa2: {  	s7 =	simm.s32 $0x0;
	s20 =	sshll.u32 s5, $0x1;
	s5 =	sadd.s32 s21, s3  }
0xa3: {  	[timem:s7], [sflag:s22] =	dma.local [hbm:s5], s20  }
0xa4: {  	_ =	swait.ge [sflag:s22], s20  }
0xa5: {  	s4 =	ssub.s32 $0x0, s20;
	[sflag:s22] =	ssyncset.done $0x0  }
0xa6: {  	[sflag:s22] =	ssyncadd.s32 s4;
	_ =	sdelay $0x1  }
0xa7: {  	s23 =	simm.s32 $0x1B8B  }
0xa8: {  	_ =	swait.ge [sflag:s23], $0x1  }
0xa9: {  	[sflag:s23] =	ssyncset.done $0x0  }
0xaa: {  	s25 =	simm.s32 $0x1B8E;
	s24 =	sld [smem:$0x3FFE];
	[sflag:s23] =	ssyncadd.s32 $0xFFFFFFFF  }
0xab: {  	s26 =	simm.s32 $execute0_lowered;
	[smem:$0x3FD2] =	sst s25  }
0xac: {  	s5 =	sshll.u32 s26, $0x1;
	_ =	strace $0x80000046;
	[dreg:$0x1] =	wrdreg $0xFFFFFFFF  }
0xad: {  	s28 =	simm.s32 $_size_execute0_lowered;
	s3 =	sadd.s32 s3, s5;
	[dreg:$0x0] =	wrdreg $0x0  }
0xae: {  	s5 =	sshll.u32 s28, $0x1;
	[dreg:$0x2] =	wrdreg s3  }
0xaf: {  	[dreg:$0x3] =	wrdreg s5  }
0xb0: {  	[dreg:$0x4] =	wrdreg $0xC0  }
0xb1: {  	_ =	task [dreg:s7], $0x5FFFF  }
0xb2: {  	[dreg:$0x1] =	wrdreg $0xFFFFFFFF  }
0xb3: {  	[dreg:$0x0] =	wrdreg $0x60  }
0xb4: {  	[dreg:$0x2] =	wrdreg s24  }
0xb5: {  	[dreg:$0x3] =	wrdreg s16  }
0xb6: {  	[dreg:$0x4] =	wrdreg $0x9  }
0xb7: {  	_ =	task.clear_ibuf [dreg:s7], $0x5FFFF;
	_ =	strace $0x90000046  }
0xb8: {  	s29 =	simm.s32 $0x9;
	_ =	strace $0x80000048  }
0xb9: {  	_ =	swait.ge [sflag:s29], $0x1  }
0xba: {  	[sflag:s29] =	ssyncadd.s32 $0xFFFFFFFF  }
0xbb: {  	_ =	strace $0x90000048  }
0xbc: {  	_ =	sfence  }
0xbd: {  	s30 =	sld [smem:$0x0];
	_ =	sdelay $0x2  }
0xbe: {  	s31 =	sshll.u32 s1, $0xD;
	s1 =	sshrl.u32 s1, $0x2  }
0xbf: {  	s3 =	sand.u32 $0x4000, s31;
	s1 =	sadd.s32 s1, s30  }
0xc0: {  	s0 =	sor.u32 s3, s0;
	s1 =	sshll.u32 s1, $0x11  }
0xc1: {  	s0 =	sor.u32 s1, s0  }
0xc2: {  	s0 =	sadd.s32 $0x8F2B, s0  }
0xc3: {  	[sflag:s0] =	ssyncadd.remote.s32 $0x1  }
0xc4: {  	_ =	sfence.sel $0xFFFF  }
0xc5: {  	[dreg:$0x0] =	wrdreg $0xFFFFFFFF;
	(pc) =	sbr.abs _section_cstart, $3  }
0xc6: {  	[dreg:$0x1] =	wrdreg $0xFFFFFFFF  }
0xc7: {  	_ =	task.clear_ibuf [dreg:s7], $0x2FFFF;
	_ =	strace $0x9FFFFFFF  }
0xc8: {  	(tm) =	ssettm $0x7FFFFFFF  }
0xc9: {  	_ =	shalt  }
tec
execute0_lowered:
.L_overlay_start_1:
0x0: {  	(tag) =	ssettag $0x1  }
0x1: {  	s4 =	rddreg [dreg:$0x0]  }
0x2: {  	s5 =	rddreg [dreg:$0x1]  }
0x3: {  	s0 =	rddreg [dreg:$0x2];
	s3 =	srdreg.scid  }
0x4: {  	s2 =	simm.s32 $0x0;
	s1 =	stileid.u32;
	s10 =	simm.s32 $0x1080  }
0x5: {  	s11 =	simm.s32 $0x1880;
	s12 =	simm.s32 $0x1;
	s3 =	sand.u32 $0x1, s3  }
0x6: {  	[smem:$0x7FF] =	sst s2;
	s6 =	sshll.u32 s1, $0x6;
	s7 =	sshll.u32 s3, $0x5  }
0x7: {  	_ =	strace $0x80000047;
	s30 =	ssub.s32 $0x2, s3;
	s6 =	sor.u32 s7, s6  }
0x8: {  	s3 =	sadd.s32 $0xA00, s4;
	s9 =	sshrl.u32 s30, $0x1;
	s8 =	sshll.u32 s6, $0x5  }
0x9: {  	v2 =	vlaneseq.u32;
	s7 =	ssub.s32 s30, s9;
	s31 =	sshrl.u32 s6, $0x3;
	s9 =	simm.s32 $0x880  }
0xa: {  	vm0 =	vmmov $0xffff;
	v1 =	vshrl.u32 v2, $0x3;
	s8 =	sadd.s32 s8, s4;
	s4 =	sadd.s32 s5, s31;
	s6 =	smax.u32 s7, $0x1  }
0xb: {  	v0 =	vand.u32 $0x7, v2;
	v2 =	vor.u32 $0x8, v2;
	v1 =	vmul.u32 $0x8, v1;
	s7 =	simm.s32 $0x2;
	s5 =	sadd.s32 $0x2A600, s8;
	s8 =	simm.s32 $0x80  }
.LBB2_1:
0xc: {  	[tilespmem:s2], [sflag:$0x2] =	stream.linear.gather [hbm4b:s4+s2], $0x20, $0x38;
	[tilespmem:$0x2080] =	vst v63  }
0xd: {  	_ =	swait.ge [sflag:s7], $0x20  }
0xe: {  	[sflag:s7] =	ssyncset.done $0x0  }
0xf: {  	[sflag:s7] =	ssyncadd.s32 $0xFFFFFFE0  }
0x10: {  	v3 =	vld [tilespmem:$0x0];
	_ =	sdelay $0x4  }
0x11: {  	v4 =	vshll.u32 v3, $0x1  }
0x12: {  	v3 =	vand.u32 $0x7, v3;
	v4 =	vand.u32 $0xFFFFFFF0, v4  }
0x13: {  	v3 =	vor.u32 v3, v4  }
0x14: {  	v4 =	vperm.xlane v3, v0;
	_ =	sdelay $0x1  }
0x15: {  	v3 =	vperm.xlane v3, v2;
	v4 =	vadd.s32 v1, v4;
	_ =	sdelay $0x1  }
0x16: {  	v3 =	vadd.s32 v1, v3;
	_ =	sdelay $0x2  }
0x17: {  	[tilespmem:s8], [sflag:$0x1] =	stream.indirect_vreg.gather [hbm4b:s3+s2], $0x80, v4, vm0, $0xb8;
	[tilespmem:$0x2080] =	vst v63  }
0x18: {  	_ = 	snop  }
0x19: {  	[tilespmem:s9], [sflag:$0x1] =	stream.indirect_vreg.gather [hbm4b:s3+s2], $0x80, v3, vm0, $0xb8;
	[tilespmem:$0x2080] =	vst v63  }
0x1a: {  	v3 =	vld [tilespmem:$0x10];
	_ =	sdelay $0x4  }
0x1b: {  	v63 =	vshll.u32 v3, $0x1  }
0x1c: {  	v3 =	vand.u32 $0x7, v3;
	v4 =	vand.u32 $0xFFFFFFF0, v63  }
0x1d: {  	v3 =	vor.u32 v3, v4  }
0x1e: {  	v4 =	vperm.xlane v3, v0;
	_ =	sdelay $0x1  }
0x1f: {  	v3 =	vperm.xlane v3, v2;
	v4 =	vadd.s32 v1, v4;
	_ =	sdelay $0x1  }
0x20: {  	v3 =	vadd.s32 v1, v3;
	_ =	sdelay $0x2  }
0x21: {  	[tilespmem:s10], [sflag:$0x1] =	stream.indirect_vreg.gather [hbm4b:s3+s2], $0x80, v4, vm0, $0xb8;
	[tilespmem:$0x2080] =	vst v63  }
0x22: {  	_ = 	snop  }
0x23: {  	[tilespmem:s11], [sflag:$0x1] =	stream.indirect_vreg.gather [hbm4b:s3+s2], $0x80, v3, vm0, $0xb8;
	[tilespmem:$0x2080] =	vst v63  }
0x24: {  	_ =	swait.ge [sflag:s12], $0x2000  }
0x25: {  	p0 =	sne.s32 s6, $0x1;
	[sflag:s12] =	ssyncset.done $0x0  }
.Ltmp0:
0x26: {  	[sflag:s12] =	ssyncadd.s32 $0xFFFFE000;
	(pc) =	sbr.rel @p0 .LBB2_1-.Ltmp0, $4  }
0x27: {  	[hbm4b:s5+s2] =	stream.linear.scatter [tilespmem:s8], [sflag:$0x2], $0x2000, $0x38;
	[tilespmem:$0x2080] =	vst v63  }
0x28: {  	_ =	swait.ge [sflag:s7], $0x2000  }
0x29: {  	[sflag:s7] =	ssyncset.done $0x0  }
0x2a: {  	s6 =	sadd.s32 $0xFFFFFFFF, s6;
	[sflag:s7] =	ssyncadd.s32 $0xFFFFE000  }
0x2b: {  	_ =	sfence.sel $0x180000  }
0x2c: {  	[bflag:$0x0] =	sbarrier.arrive $0xFFFF  }
0x2d: {  	p0 =	sne.s32 s1, $0x0;
	_ =	strace $0x90000047  }
0x2e: {  	s0 =	sadd.s32 @!p0 $0x100000, s0;
	[bflag:$0x2] =	sbarrier.arrive $0xFFFF  }
0x2f: {  	[sflag:s0] =	ssyncadd.tile.s32 @!p0 $0x1;
	_ =	shalt  }
.Lfunc_end2:
_tile_overlayer_lowered:
.L_overlay_start_2:
0x30: {  	(tag) =	ssettag $0x2  }
0x31: {  	s0 =	rddreg [dreg:$0x0];
	s2 =	stileid.u32  }
0x32: {  	s1 =	rddreg [dreg:$0x1];
	p0 =	sne.s32 s2, $0x0  }
0x33: {  	s3 =	rddreg [dreg:$0x2];
	[bflag:$0x3] =	sbarrier.arrive $0xFFFF;
	s2 =	simm.s32 @!p0 $0x1C02  }
0x34: {  	[timem:s3], [sflag:s2] =	dma.local @!p0 [hbm:s0], s1  }
0x35: {  	s0 =	simm.s32 @!p0 $0x2  }
0x36: {  	_ =	swait.ge @!p0 [sflag:s0], s1  }
0x37: {  	s1 =	ssub.s32 @!p0 $0x0, s1;
	[sflag:s0] =	ssyncset.done @!p0 $0x0  }
0x38: {  	[sflag:s0] =	ssyncadd.s32 @!p0 s1  }
0x39: {  	[bflag:$0x3] =	sbarrier.arrive $0xFFFF  }
0x3a: {  	_ =	shalt  }

</sc_bundles>
